<compile_context>
chip_gen: v7x
topology: tpu7x:2x2x1
jax: 0.10.2.dev20260603
libtpu: 0.0.44.dev20260713+nightly
codegen_flags: <defaults>
</compile_context>

<pallas_src>
import jax
import jax.numpy as jnp
from jax import lax
from jax.experimental import pallas as pl
from jax.experimental.pallas import tpu as pltpu
from jax.experimental.pallas import tpu_sc as plsc

_SHIFT = 0.6931471805599453

NC = 2
NS = 16
NW = NC * NS
CH = 64


def _softplus(x):
    return jnp.maximum(x, 0.0) + jnp.log(1.0 + jnp.exp(-jnp.abs(x)))


def _xw_body(nf_ref, w1_ref, x_ref):
    x_ref[...] = jnp.dot(nf_ref[...], w1_ref[...],
                         preferred_element_type=jnp.float32)


def _filter_body(ef_ref, wf1_ref, bf1_ref, wf2_ref, bf2_ref, out_ref):
    h = jnp.dot(ef_ref[...], wf1_ref[...], preferred_element_type=jnp.float32)
    h = _softplus(h + bf1_ref[...]) - _SHIFT
    h = jnp.dot(h, wf2_ref[...], preferred_element_type=jnp.float32)
    out_ref[...] = _softplus(h + bf2_ref[...]) - _SHIFT


def _final_body(s0_ref, s1_ref, ct_ref, nf_ref,
                w2_ref, b2_ref, w3_ref, b3_ref, out_ref):
    cnt = jnp.sum(ct_ref[...], axis=1, keepdims=True)
    mean = (s0_ref[...] + s1_ref[...]) / jnp.maximum(cnt, 1.0)
    h = jnp.dot(mean, w2_ref[...], preferred_element_type=jnp.float32)
    h = _softplus(h + b2_ref[...]) - _SHIFT
    h = jnp.dot(h, w3_ref[...], preferred_element_type=jnp.float32)
    out_ref[...] = nf_ref[...] + h + b3_ref[...]


def _make_sc_kernel(dim, nch, np_rows, zr):
    mesh = plsc.VectorSubcoreMesh(core_axis_name="c", subcore_axis_name="s",
                                  num_cores=NC, num_subcores=NS)

    nch_a, nch_b = nch

    def body(x_hbm, idxc_hbm, wf_hbm, zrow_hbm, sums_hbm,
             idx_a, idx_b, w_a, w_b, rows_a, rows_b, sums_sh,
             sga, sgb, swa, swb, ssa, ssb):
        cid = lax.axis_index("c")
        sid = lax.axis_index("s")
        g0 = jnp.where(cid == 0, sid * nch_a, NS * nch_a + sid * nch_b)
        ntile = jnp.where(cid == 0, nch_a, nch_b)

        r0 = sid * zr
        pltpu.sync_copy(zrow_hbm, sums_sh.at[pl.ds(r0, zr), :])
        plsc.subcore_barrier()

        def prefetch(ci, idx_v, w_v, rows_v, sg, sw):
            gi = g0 + ci
            pltpu.sync_copy(idxc_hbm.at[gi], idx_v)
            pltpu.async_copy(wf_hbm.at[pl.ds(gi * CH, CH), :], w_v, sw)
            pltpu.async_copy(x_hbm.at[idx_v.at[0]], rows_v, sg)

        def process(ci, idx_v, w_v, rows_v, sg, sw, ss):
            gi = g0 + ci
            pltpu.make_async_copy(wf_hbm.at[pl.ds(gi * CH, CH), :], w_v,
                                  sw).wait()
            pltpu.make_async_copy(x_hbm.at[idx_v.at[0]], rows_v, sg).wait()

            def mul_row(r, c2):
                for k in range(dim // 16):
                    s = pl.ds(k * 16, 16)
                    rows_v[r, s] = rows_v[r, s] * w_v[r, s]
                return c2
            lax.fori_loop(0, CH, mul_row, 0)
            pltpu.async_copy(rows_v, sums_sh.at[idx_v.at[1]], ss, add=True)

        def wait_scatter(idx_v, rows_v, ss):
            pltpu.make_async_copy(rows_v, sums_sh.at[idx_v.at[1]], ss).wait()

        ng = ntile // 2
        prefetch(0, idx_a, w_a, rows_a, sga, swa)

        def pair_body(g, carry):
            @pl.when(g > 0)
            def _():
                wait_scatter(idx_b, rows_b, ssb)
            prefetch(2 * g + 1, idx_b, w_b, rows_b, sgb, swb)
            process(2 * g, idx_a, w_a, rows_a, sga, swa, ssa)
            wait_scatter(idx_a, rows_a, ssa)

            @pl.when(g < ng - 1)
            def _():
                prefetch(2 * g + 2, idx_a, w_a, rows_a, sga, swa)
            process(2 * g + 1, idx_b, w_b, rows_b, sgb, swb, ssb)
            return carry
        lax.fori_loop(0, ng, pair_body, 0)
        wait_scatter(idx_b, rows_b, ssb)

        plsc.subcore_barrier()
        ob = cid * np_rows + r0
        pltpu.sync_copy(sums_sh.at[pl.ds(r0, zr), :],
                        sums_hbm.at[pl.ds(ob, zr), :])

    return pl.kernel(
        body,
        out_type=jax.ShapeDtypeStruct((NC * np_rows, dim), jnp.float32),
        mesh=mesh,
        scratch_types=[
            pltpu.VMEM((2, CH), jnp.int32),
            pltpu.VMEM((2, CH), jnp.int32),
            pltpu.VMEM((CH, dim), jnp.float32),
            pltpu.VMEM((CH, dim), jnp.float32),
            pltpu.VMEM((CH, dim), jnp.float32),
            pltpu.VMEM((CH, dim), jnp.float32),
            pltpu.VMEM_SHARED((np_rows, dim), jnp.float32),
            pltpu.SemaphoreType.DMA,
            pltpu.SemaphoreType.DMA,
            pltpu.SemaphoreType.DMA,
            pltpu.SemaphoreType.DMA,
            pltpu.SemaphoreType.DMA,
            pltpu.SemaphoreType.DMA,
        ],
    )


def _make_cnt_kernel(ept, np_rows):
    mesh = plsc.VectorSubcoreMesh(core_axis_name="c", subcore_axis_name="s",
                                  num_cores=NC, num_subcores=NS)

    def body(idx1_hbm, cnts_hbm, idx1_v, hist_v):
        cid = lax.axis_index("c")
        sid = lax.axis_index("s")
        wid = cid * NS + sid

        def zero_body(i, carry):
            hist_v[pl.ds(i * 16, 16)] = jnp.zeros((16,), jnp.float32)
            return carry
        lax.fori_loop(0, np_rows // 16, zero_body, 0)

        pltpu.sync_copy(idx1_hbm.at[pl.ds(wid * ept, ept)], idx1_v)
        ones16 = jnp.ones((16,), jnp.float32)

        def chunk_body(t, carry):
            for j in range(4):
                iv = idx1_v[pl.ds((t * 4 + j) * 16, 16)]
                plsc.addupdate_scatter(hist_v, [iv], ones16)
            return carry
        lax.fori_loop(0, ept // 64, chunk_body, 0)

        pltpu.sync_copy(hist_v, cnts_hbm.at[wid])

    return pl.kernel(
        body,
        out_type=jax.ShapeDtypeStruct((NW, np_rows), jnp.float32),
        mesh=mesh,
        compiler_params=pltpu.CompilerParams(needs_layout_passes=False),
        scratch_types=[
            pltpu.VMEM((ept,), jnp.int32),
            pltpu.VMEM((np_rows,), jnp.float32),
        ],
    )


def kernel(node_fea, idx1, idx2, edge_fea, W1, Wf1, bf1, Wf2, bf2, W2, b2,
           W3, b3):
    n, d = node_fea.shape
    e, de = edge_fea.shape

    np_rows = (n + NS * 8) // (NS * 8) * (NS * 8)
    zr = np_rows // NS

    x = pl.pallas_call(
        _xw_body,
        out_shape=jax.ShapeDtypeStruct((n, d), jnp.float32),
    )(node_fea, W1)

    e_pad_c = -(-e // (NW * CH * 2)) * (NW * CH * 2)
    idx1pc = jnp.concatenate([idx1.astype(jnp.int32),
                              jnp.full((e_pad_c - e,), n, jnp.int32)])
    cnts_p = _make_cnt_kernel(e_pad_c // NW, np_rows)(idx1pc)

    s_tot = -(-e // (NS * CH))
    nch_a = max(2, 2 * round(s_tot * 0.565 / 2))
    nch_b = max(2, -(-(s_tot - nch_a) // 2) * 2)
    e_pad = NS * CH * (nch_a + nch_b)
    pad = e_pad - e
    i1h = jnp.concatenate([idx1.astype(jnp.int32),
                           jnp.full((pad,), n, jnp.int32)])
    i2h = jnp.concatenate([idx2.astype(jnp.int32),
                           jnp.zeros((pad,), jnp.int32)])
    idxc = jnp.stack([i2h.reshape(-1, CH), i1h.reshape(-1, CH)], axis=1)

    be = next(b for b in (2000, 1600, 1024, 640, 512, 320, 256, 128, 64,
                          32, 16, 8) if e % b == 0)
    wf = pl.pallas_call(
        _filter_body,
        grid=(e // be,),
        in_specs=[
            pl.BlockSpec((be, de), lambda i: (i, 0)),
            pl.BlockSpec((de, d), lambda i: (0, 0)),
            pl.BlockSpec((1, d), lambda i: (0, 0)),
            pl.BlockSpec((d, d), lambda i: (0, 0)),
            pl.BlockSpec((1, d), lambda i: (0, 0)),
        ],
        out_specs=pl.BlockSpec((be, d), lambda i: (i, 0)),
        out_shape=jax.ShapeDtypeStruct((e_pad, d), jnp.float32),
    )(edge_fea, Wf1, bf1.reshape(1, d), Wf2, bf2.reshape(1, d))

    zrow = jnp.zeros((zr, d), jnp.float32)
    sums_p = _make_sc_kernel(d, (nch_a, nch_b), np_rows, zr)(x, idxc, wf, zrow)

    s0 = sums_p[:n]
    s1 = sums_p[np_rows:np_rows + n]
    ct = jnp.transpose(cnts_p)[:n]

    bn = 1000
    out = pl.pallas_call(
        _final_body,
        grid=(n // bn,),
        in_specs=[
            pl.BlockSpec((bn, d), lambda i: (i, 0)),
            pl.BlockSpec((bn, d), lambda i: (i, 0)),
            pl.BlockSpec((bn, NW), lambda i: (i, 0)),
            pl.BlockSpec((bn, d), lambda i: (i, 0)),
            pl.BlockSpec((d, d), lambda i: (0, 0)),
            pl.BlockSpec((1, d), lambda i: (0, 0)),
            pl.BlockSpec((d, d), lambda i: (0, 0)),
            pl.BlockSpec((1, d), lambda i: (0, 0)),
        ],
        out_specs=pl.BlockSpec((bn, d), lambda i: (i, 0)),
        out_shape=jax.ShapeDtypeStruct((n, d), jnp.float32),
    )(s0, s1, ct, node_fea, W2, b2.reshape(1, d), W3, b3.reshape(1, d))
    return out

# --- scband reference (transcript-rebuilt; emitter-appended) ---
"""Pipeline reference for scband-interaction-block-15161234555433 (READ-ONLY COPY).

The authoritative reference and input builder live on the scoring server;
editing this copy changes nothing except your own understanding.
"""

import jax, jax.numpy as jnp
import numpy as np

N_NODES = 10000
N_EDGES = 320000
DIM_V1 = 128
DIM_E0 = 16
DIM_E1 = 128


def setup_inputs(seed: int = 0) -> dict:
    key = jax.random.key(seed)
    ks = jax.random.split(key, 16)
    node_fea = jax.random.normal(ks[0], (N_NODES, DIM_V1), dtype=jnp.float32)
    idx1 = jax.random.randint(ks[1], (N_EDGES,), 0, N_NODES, dtype=jnp.int64 if jax.config.jax_enable_x64 else jnp.int32)
    idx2 = jax.random.randint(ks[2], (N_EDGES,), 0, N_NODES, dtype=jnp.int64 if jax.config.jax_enable_x64 else jnp.int32)
    edge_fea = jax.random.normal(ks[3], (N_EDGES, DIM_E0), dtype=jnp.float32)
    # parameters (Linear weights stored as [in, out]; applied as x @ W + b)
    W1 = jax.random.normal(ks[4], (DIM_V1, DIM_V1), dtype=jnp.float32) * 0.05  # AtomWise1, no bias
    Wf1 = jax.random.normal(ks[5], (DIM_E0, DIM_E1), dtype=jnp.float32) * 0.05
    bf1 = jax.random.normal(ks[6], (DIM_E1,), dtype=jnp.float32) * 0.05
    Wf2 = jax.random.normal(ks[7], (DIM_E1, DIM_E1), dtype=jnp.float32) * 0.05
    bf2 = jax.random.normal(ks[8], (DIM_E1,), dtype=jnp.float32) * 0.05
    W2 = jax.random.normal(ks[9], (DIM_V1, DIM_V1), dtype=jnp.float32) * 0.05
    b2 = jax.random.normal(ks[10], (DIM_V1,), dtype=jnp.float32) * 0.05
    W3 = jax.random.normal(ks[11], (DIM_V1, DIM_V1), dtype=jnp.float32) * 0.05
    b3 = jax.random.normal(ks[12], (DIM_V1,), dtype=jnp.float32) * 0.05
    return {"node_fea": node_fea, "idx1": idx1, "idx2": idx2, "edge_fea": edge_fea,
            "W1": W1, "Wf1": Wf1, "bf1": bf1, "Wf2": Wf2, "bf2": bf2,
            "W2": W2, "b2": b2, "W3": W3, "b3": b3}


def reference(node_fea, idx1, idx2, edge_fea, W1, Wf1, bf1, Wf2, bf2, W2, b2, W3, b3):
    shift = jnp.log(jnp.asarray(2.0, dtype=jnp.float32))
    # AtomWise1 (no bias)
    x = node_fea @ W1
    # FilterGenerator
    W = jax.nn.softplus(edge_fea @ Wf1 + bf1) - shift
    W = jax.nn.softplus(W @ Wf2 + bf2) - shift
    # continuous-filter convolution: gather source nodes, modulate by filter
    cfconf = jnp.take(x, idx2, axis=0) * W
    # scatter_mean over destination index idx1 (zeros where no edges land)
    sums = jax.ops.segment_sum(cfconf, idx1, num_segments=node_fea.shape[0])
    counts = jax.ops.segment_sum(jnp.ones((idx1.shape[0],), dtype=jnp.float32), idx1, num_segments=node_fea.shape[0])
    node_new = sums / jnp.maximum(counts, 1.0)[:, None]
    node_new = jax.nn.softplus(node_new @ W2 + b2) - shift
    node_new = node_new @ W3 + b3
    return node_fea + node_new

if __name__ == "__main__":
    import jax
    _d = setup_inputs()
    print(jax.jit(kernel)(*tuple(_d.values())))

</pallas_src>

<mosaic_0001>
#map = affine_map<(d0, d1) -> (0)>
#map1 = affine_map<(d0, d1) -> (0, 0)>
module attributes {stable_mosaic.version = 14 : i64} {
  func.func @body(%arg0: i32, %arg1: i32, %arg2: memref<323584xi32, #tpu.memory_space<hbm>>, %arg3: memref<32x10112xf32, #tpu.memory_space<hbm>>, %arg4: memref<10112xi32, #tpu.memory_space<vmem>>, %arg5: memref<10112xf32, #tpu.memory_space<vmem>>) attributes {dimension_semantics = [#tpu.dimension_semantics<core_parallel>, #tpu.dimension_semantics<subcore_parallel>], iteration_bounds = array<i64: 2, 16>, scalar_prefetch = 0 : i64, scratch_operands = 2 : i64, tpu.core_type = #tpu.core_type<sc_vector_subcore>, window_params = [{transform_indices = #map}, {transform_indices = #map1}]} {
    %mul3A = arith.constant 16 : i32
    %mul3A_0 = arith.muli %arg0, %mul3A : i32
    %add3A = arith.addi %mul3A_0, %arg1 : i32
    %scan3A = arith.constant 0 : i32
    %scan3A_1 = arith.constant 0 : i32
    %scan3A_2 = arith.constant 632 : i32
    %scan3A_3 = arith.addi %scan3A_1, %scan3A_2 : i32
    %scan3A_4 = arith.constant 1 : i32
    scf.for %scan3A_15 = %scan3A_1 to %scan3A_3 step %scan3A_4  : i32 {
      %broadcast_in_dim3A_16 = arith.constant 0.000000e+00 : f32
      %broadcast_in_dim3A_17 = vector.broadcast %broadcast_in_dim3A_16 : f32 to vector<16xf32>
      %mul3A_18 = arith.constant 16 : i32
      %mul3A_19 = arith.muli %scan3A_15, %mul3A_18 : i32
      %swap3A = arith.index_cast %mul3A_19 : i32 to index
      %swap3A_20 = tpu.vector_load %arg5[%swap3A] {strides = array<i32>} : memref<10112xf32, #tpu.memory_space<vmem>>, vector<16xf32>,
      tpu.vector_store %arg5[%swap3A], %broadcast_in_dim3A_17 {strides = array<i32>} : memref<10112xf32, #tpu.memory_space<vmem>>, vector<16xf32>,
    }
    %scan3A_5 = arith.constant 632 : i32
    %mul3A_6 = arith.constant 10112 : i32
    %mul3A_7 = arith.muli %add3A, %mul3A_6 : i32
    "tpu.region"() ({
      %run_scoped3A = tpu.sem_alloc : memref<!tpu.dma_semaphore, #tpu.memory_space<semaphore_mem>>
      %dma_start3A = tpu.memref_slice %arg2[%mul3A_7] : memref<323584xi32, #tpu.memory_space<hbm>> -> memref<10112xi32, #tpu.memory_space<hbm>>
      %dma_start3A_15 = tpu.memref_slice %arg2[%mul3A_7] : memref<323584xi32, #tpu.memory_space<hbm>> -> memref<10112xi32, #tpu.memory_space<hbm>>
      tpu.enqueue_dma source(%dma_start3A_15 : memref<10112xi32, #tpu.memory_space<hbm>>) target(%arg4 : memref<10112xi32, #tpu.memory_space<vmem>>) target_semaphore(%run_scoped3A : memref<!tpu.dma_semaphore, #tpu.memory_space<semaphore_mem>>)
      %dma_wait3A = tpu.memref_slice %arg2[%mul3A_7] : memref<323584xi32, #tpu.memory_space<hbm>> -> memref<10112xi32, #tpu.memory_space<hbm>>
      %dma_wait3A_16 = tpu.memref_slice %arg2[%mul3A_7] : memref<323584xi32, #tpu.memory_space<hbm>> -> memref<10112xi32, #tpu.memory_space<hbm>>
      tpu.wait_dma2 semaphore(%run_scoped3A : memref<!tpu.dma_semaphore, #tpu.memory_space<semaphore_mem>>) src(%dma_wait3A_16 : memref<10112xi32, #tpu.memory_space<hbm>>) dst(%arg4 : memref<10112xi32, #tpu.memory_space<vmem>>)
      tpu.yield
    }) : () -> ()
    %broadcast_in_dim3A = arith.constant 1.000000e+00 : f32
    %broadcast_in_dim3A_8 = vector.broadcast %broadcast_in_dim3A : f32 to vector<16xf32>
    %scan3A_9 = arith.constant 0 : i32
    %scan3A_10 = arith.constant 0 : i32
    %scan3A_11 = arith.constant 158 : i32
    %scan3A_12 = arith.addi %scan3A_10, %scan3A_11 : i32
    %scan3A_13 = arith.constant 1 : i32
    scf.for %scan3A_15 = %scan3A_10 to %scan3A_12 step %scan3A_13  : i32 {
      %mul3A_16 = arith.constant 4 : i32
      %mul3A_17 = arith.muli %scan3A_15, %mul3A_16 : i32
      %add3A_18 = arith.constant 0 : i32
      %add3A_19 = arith.addi %mul3A_17, %add3A_18 : i32
      %mul3A_20 = arith.constant 16 : i32
      %mul3A_21 = arith.muli %add3A_19, %mul3A_20 : i32
      %get3A = arith.index_cast %mul3A_21 : i32 to index
      %get3A_22 = tpu.vector_load %arg4[%get3A] {strides = array<i32>} : memref<10112xi32, #tpu.memory_space<vmem>>, vector<16xi32>,
      tpu.vector_store_idx %arg5[%get3A_22], %broadcast_in_dim3A_8 {add = true} : memref<10112xf32, #tpu.memory_space<vmem>>[vector<16xi32>], vector<16xf32>,
      %mul3A_23 = arith.constant 4 : i32
      %mul3A_24 = arith.muli %scan3A_15, %mul3A_23 : i32
      %add3A_25 = arith.constant 1 : i32
      %add3A_26 = arith.addi %mul3A_24, %add3A_25 : i32
      %mul3A_27 = arith.constant 16 : i32
      %mul3A_28 = arith.muli %add3A_26, %mul3A_27 : i32
      %get3A_29 = arith.index_cast %mul3A_28 : i32 to index
      %get3A_30 = tpu.vector_load %arg4[%get3A_29] {strides = array<i32>} : memref<10112xi32, #tpu.memory_space<vmem>>, vector<16xi32>,
      tpu.vector_store_idx %arg5[%get3A_30], %broadcast_in_dim3A_8 {add = true} : memref<10112xf32, #tpu.memory_space<vmem>>[vector<16xi32>], vector<16xf32>,
      %mul3A_31 = arith.constant 4 : i32
      %mul3A_32 = arith.muli %scan3A_15, %mul3A_31 : i32
      %add3A_33 = arith.constant 2 : i32
      %add3A_34 = arith.addi %mul3A_32, %add3A_33 : i32
      %mul3A_35 = arith.constant 16 : i32
      %mul3A_36 = arith.muli %add3A_34, %mul3A_35 : i32
      %get3A_37 = arith.index_cast %mul3A_36 : i32 to index
      %get3A_38 = tpu.vector_load %arg4[%get3A_37] {strides = array<i32>} : memref<10112xi32, #tpu.memory_space<vmem>>, vector<16xi32>,
      tpu.vector_store_idx %arg5[%get3A_38], %broadcast_in_dim3A_8 {add = true} : memref<10112xf32, #tpu.memory_space<vmem>>[vector<16xi32>], vector<16xf32>,
      %mul3A_39 = arith.constant 4 : i32
      %mul3A_40 = arith.muli %scan3A_15, %mul3A_39 : i32
      %add3A_41 = arith.constant 3 : i32
      %add3A_42 = arith.addi %mul3A_40, %add3A_41 : i32
      %mul3A_43 = arith.constant 16 : i32
      %mul3A_44 = arith.muli %add3A_42, %mul3A_43 : i32
      %get3A_45 = arith.index_cast %mul3A_44 : i32 to index
      %get3A_46 = tpu.vector_load %arg4[%get3A_45] {strides = array<i32>} : memref<10112xi32, #tpu.memory_space<vmem>>, vector<16xi32>,
      tpu.vector_store_idx %arg5[%get3A_46], %broadcast_in_dim3A_8 {add = true} : memref<10112xf32, #tpu.memory_space<vmem>>[vector<16xi32>], vector<16xf32>,
    }
    %scan3A_14 = arith.constant 158 : i32
    "tpu.region"() ({
      %run_scoped3A = tpu.sem_alloc : memref<!tpu.dma_semaphore, #tpu.memory_space<semaphore_mem>>
      %dma_start3A = arith.constant 0 : i32
      %dma_start3A_15 = tpu.memref_slice %arg3[%add3A, %dma_start3A] : memref<32x10112xf32, #tpu.memory_space<hbm>> -> memref<1x10112xf32, #tpu.memory_space<hbm>>
      %dma_start3A_16 = tpu.memref_squeeze %dma_start3A_15 : memref<1x10112xf32, #tpu.memory_space<hbm>> -> memref<10112xf32, #tpu.memory_space<hbm>>
      %dma_start3A_17 = arith.constant 0 : i32
      %dma_start3A_18 = tpu.memref_slice %arg3[%add3A, %dma_start3A_17] : memref<32x10112xf32, #tpu.memory_space<hbm>> -> memref<1x10112xf32, #tpu.memory_space<hbm>>
      %dma_start3A_19 = tpu.memref_squeeze %dma_start3A_18 : memref<1x10112xf32, #tpu.memory_space<hbm>> -> memref<10112xf32, #tpu.memory_space<hbm>>
      tpu.enqueue_dma source(%arg5 : memref<10112xf32, #tpu.memory_space<vmem>>) target(%dma_start3A_19 : memref<10112xf32, #tpu.memory_space<hbm>>) target_semaphore(%run_scoped3A : memref<!tpu.dma_semaphore, #tpu.memory_space<semaphore_mem>>)
      %dma_wait3A = arith.constant 0 : i32
      %dma_wait3A_20 = tpu.memref_slice %arg3[%add3A, %dma_wait3A] : memref<32x10112xf32, #tpu.memory_space<hbm>> -> memref<1x10112xf32, #tpu.memory_space<hbm>>
      %dma_wait3A_21 = tpu.memref_squeeze %dma_wait3A_20 : memref<1x10112xf32, #tpu.memory_space<hbm>> -> memref<10112xf32, #tpu.memory_space<hbm>>
      %dma_wait3A_22 = arith.constant 0 : i32
      %dma_wait3A_23 = tpu.memref_slice %arg3[%add3A, %dma_wait3A_22] : memref<32x10112xf32, #tpu.memory_space<hbm>> -> memref<1x10112xf32, #tpu.memory_space<hbm>>
      %dma_wait3A_24 = tpu.memref_squeeze %dma_wait3A_23 : memref<1x10112xf32, #tpu.memory_space<hbm>> -> memref<10112xf32, #tpu.memory_space<hbm>>
      tpu.wait_dma2 semaphore(%run_scoped3A : memref<!tpu.dma_semaphore, #tpu.memory_space<semaphore_mem>>) src(%arg5 : memref<10112xf32, #tpu.memory_space<vmem>>) dst(%dma_wait3A_24 : memref<10112xf32, #tpu.memory_space<hbm>>)
      tpu.yield
    }) : () -> ()
    return
  }
}

#map = affine_map<(d0, d1) -> (0, 0)>
#map1 = affine_map<(d0, d1) -> (0, 0, 0)>
module attributes {stable_mosaic.version = 14 : i64} {
  func.func @body(%arg0: i32, %arg1: i32, %arg2: memref<10000x128xf32, #tpu.memory_space<hbm>>, %arg3: memref<5024x2x64xi32, #tpu.memory_space<hbm>>, %arg4: memref<321536x128xf32, #tpu.memory_space<hbm>>, %arg5: memref<632x128xf32, #tpu.memory_space<hbm>>, %arg6: memref<20224x128xf32, #tpu.memory_space<hbm>>, %arg7: memref<2x64xi32, #tpu.memory_space<vmem>>, %arg8: memref<2x64xi32, #tpu.memory_space<vmem>>, %arg9: memref<64x128xf32, #tpu.memory_space<vmem>>, %arg10: memref<64x128xf32, #tpu.memory_space<vmem>>, %arg11: memref<64x128xf32, #tpu.memory_space<vmem>>, %arg12: memref<64x128xf32, #tpu.memory_space<vmem>>, %arg13: memref<10112x128xf32, #tpu.memory_space<vmem_shared>>, %arg14: memref<!tpu.dma_semaphore, #tpu.memory_space<semaphore_mem>>, %arg15: memref<!tpu.dma_semaphore, #tpu.memory_space<semaphore_mem>>, %arg16: memref<!tpu.dma_semaphore, #tpu.memory_space<semaphore_mem>>, %arg17: memref<!tpu.dma_semaphore, #tpu.memory_space<semaphore_mem>>, %arg18: memref<!tpu.dma_semaphore, #tpu.memory_space<semaphore_mem>>, %arg19: memref<!tpu.dma_semaphore, #tpu.memory_space<semaphore_mem>>) attributes {dimension_semantics = [#tpu.dimension_semantics<core_parallel>, #tpu.dimension_semantics<subcore_parallel>], iteration_bounds = array<i64: 2, 16>, scalar_prefetch = 0 : i64, scratch_operands = 13 : i64, tpu.core_type = #tpu.core_type<sc_vector_subcore>, window_params = [{transform_indices = #map}, {transform_indices = #map1}, {transform_indices = #map}, {transform_indices = #map}, {transform_indices = #map}]} {
    %eq3A = arith.constant 0 : i32
    %eq3A_0 = arith.cmpi eq, %arg0, %eq3A : i32
    %mul3A = arith.constant 176 : i32
    %mul3A_1 = arith.muli %arg1, %mul3A : i32
    %mul3A_2 = arith.constant 138 : i32
    %mul3A_3 = arith.muli %arg1, %mul3A_2 : i32
    %add3A = arith.constant 2816 : i32
    %add3A_4 = arith.addi %add3A, %mul3A_3 : i32
    %select_n3A = arith.select %eq3A_0, %mul3A_1, %add3A_4 : i32
    %eq3A_5 = arith.constant 0 : i32
    %eq3A_6 = arith.cmpi eq, %arg0, %eq3A_5 : i32
    %jit3A = arith.constant 176 : i32
    %jit3A_7 = arith.constant 138 : i32
    %select_n3A_8 = arith.select %eq3A_6, %jit3A, %jit3A_7 : i32
    %mul3A_9 = arith.constant 632 : i32
    %mul3A_10 = arith.muli %arg1, %mul3A_9 : i32
    "tpu.region"() ({
      %run_scoped3A = tpu.sem_alloc : memref<!tpu.dma_semaphore, #tpu.memory_space<semaphore_mem>>
      %dma_start3A_62 = arith.constant 0 : i32
      %dma_start3A_63 = tpu.memref_slice %arg13[%mul3A_10, %dma_start3A_62] : memref<10112x128xf32, #tpu.memory_space<vmem_shared>> -> memref<632x128xf32, #tpu.memory_space<vmem_shared>>
      tpu.enqueue_dma source(%arg5 : memref<632x128xf32, #tpu.memory_space<hbm>>) target(%dma_start3A_63 : memref<632x128xf32, #tpu.memory_space<vmem_shared>>) target_semaphore(%run_scoped3A : memref<!tpu.dma_semaphore, #tpu.memory_space<semaphore_mem>>)
      %dma_wait3A_64 = arith.constant 0 : i32
      %dma_wait3A_65 = tpu.memref_slice %arg13[%mul3A_10, %dma_wait3A_64] : memref<10112x128xf32, #tpu.memory_space<vmem_shared>> -> memref<632x128xf32, #tpu.memory_space<vmem_shared>>
      tpu.wait_dma2 semaphore(%run_scoped3A : memref<!tpu.dma_semaphore, #tpu.memory_space<semaphore_mem>>) src(%arg5 : memref<632x128xf32, #tpu.memory_space<hbm>>) dst(%dma_wait3A_65 : memref<632x128xf32, #tpu.memory_space<vmem_shared>>)
      tpu.yield
    }) : () -> ()
    %barrier3A = arith.constant 0 : index
    tpu.barrier barrier_id(%barrier3A)
    %jit3A_11 = arith.constant 2 : i32
    %div3A = arith.divsi %select_n3A_8, %jit3A_11 : i32
    %sign3A = arith.constant 0 : i32
    %sign3A_12 = arith.cmpi sgt, %select_n3A_8, %sign3A : i32
    %sign3A_13 = arith.extui %sign3A_12 : i1 to i32
    %sign3A_14 = arith.constant 0 : i32
    %sign3A_15 = arith.cmpi slt, %select_n3A_8, %sign3A_14 : i32
    %sign3A_16 = arith.extui %sign3A_15 : i1 to i32
    %sign3A_17 = arith.subi %sign3A_13, %sign3A_16 : i32
    %sign3A_18 = arith.constant 0 : i32
    %sign3A_19 = arith.cmpi sgt, %jit3A_11, %sign3A_18 : i32
    %sign3A_20 = arith.extui %sign3A_19 : i1 to i32
    %sign3A_21 = arith.constant 0 : i32
    %sign3A_22 = arith.cmpi slt, %jit3A_11, %sign3A_21 : i32
    %sign3A_23 = arith.extui %sign3A_22 : i1 to i32
    %sign3A_24 = arith.subi %sign3A_20, %sign3A_23 : i32
    %ne3A = arith.cmpi ne, %sign3A_17, %sign3A_24 : i32
    %rem3A = arith.remsi %select_n3A_8, %jit3A_11 : i32
    %ne3A_25 = arith.constant 0 : i32
    %ne3A_26 = arith.cmpi ne, %rem3A, %ne3A_25 : i32
    %and3A = arith.andi %ne3A, %ne3A_26 : i1
    %sub3A = arith.constant 1 : i32
    %sub3A_27 = arith.subi %div3A, %sub3A : i32
    %select_n3A_28 = arith.select %and3A, %sub3A_27, %div3A : i32
    %add3A_29 = arith.constant 0 : i32
    %add3A_30 = arith.addi %select_n3A, %add3A_29 : i32
    "tpu.region"() ({
      %run_scoped3A = tpu.sem_alloc : memref<!tpu.dma_semaphore, #tpu.memory_space<semaphore_mem>>
      %dma_start3A_62 = arith.constant 0 : i32
      %dma_start3A_63 = arith.constant 0 : i32
      %dma_start3A_64 = tpu.memref_slice %arg3[%add3A_30, %dma_start3A_62, %dma_start3A_63] : memref<5024x2x64xi32, #tpu.memory_space<hbm>> -> memref<1x2x64xi32, #tpu.memory_space<hbm>>
      %dma_start3A_65 = tpu.memref_squeeze %dma_start3A_64 : memref<1x2x64xi32, #tpu.memory_space<hbm>> -> memref<2x64xi32, #tpu.memory_space<hbm>>
      %dma_start3A_66 = arith.constant 0 : i32
      %dma_start3A_67 = arith.constant 0 : i32
      %dma_start3A_68 = tpu.memref_slice %arg3[%add3A_30, %dma_start3A_66, %dma_start3A_67] : memref<5024x2x64xi32, #tpu.memory_space<hbm>> -> memref<1x2x64xi32, #tpu.memory_space<hbm>>
      %dma_start3A_69 = tpu.memref_squeeze %dma_start3A_68 : memref<1x2x64xi32, #tpu.memory_space<hbm>> -> memref<2x64xi32, #tpu.memory_space<hbm>>
      tpu.enqueue_dma source(%dma_start3A_69 : memref<2x64xi32, #tpu.memory_space<hbm>>) target(%arg7 : memref<2x64xi32, #tpu.memory_space<vmem>>) target_semaphore(%run_scoped3A : memref<!tpu.dma_semaphore, #tpu.memory_space<semaphore_mem>>)
      %dma_wait3A_70 = arith.constant 0 : i32
      %dma_wait3A_71 = arith.constant 0 : i32
      %dma_wait3A_72 = tpu.memref_slice %arg3[%add3A_30, %dma_wait3A_70, %dma_wait3A_71] : memref<5024x2x64xi32, #tpu.memory_space<hbm>> -> memref<1x2x64xi32, #tpu.memory_space<hbm>>
      %dma_wait3A_73 = tpu.memref_squeeze %dma_wait3A_72 : memref<1x2x64xi32, #tpu.memory_space<hbm>> -> memref<2x64xi32, #tpu.memory_space<hbm>>
      %dma_wait3A_74 = arith.constant 0 : i32
      %dma_wait3A_75 = arith.constant 0 : i32
      %dma_wait3A_76 = tpu.memref_slice %arg3[%add3A_30, %dma_wait3A_74, %dma_wait3A_75] : memref<5024x2x64xi32, #tpu.memory_space<hbm>> -> memref<1x2x64xi32, #tpu.memory_space<hbm>>
      %dma_wait3A_77 = tpu.memref_squeeze %dma_wait3A_76 : memref<1x2x64xi32, #tpu.memory_space<hbm>> -> memref<2x64xi32, #tpu.memory_space<hbm>>
      tpu.wait_dma2 semaphore(%run_scoped3A : memref<!tpu.dma_semaphore, #tpu.memory_space<semaphore_mem>>) src(%dma_wait3A_77 : memref<2x64xi32, #tpu.memory_space<hbm>>) dst(%arg7 : memref<2x64xi32, #tpu.memory_space<vmem>>)
      tpu.yield
    }) : () -> ()
    %mul3A_31 = arith.constant 64 : i32
    %mul3A_32 = arith.muli %add3A_30, %mul3A_31 : i32
    %dma_start3A = arith.constant 0 : i32
    %dma_start3A_33 = tpu.memref_slice %arg4[%mul3A_32, %dma_start3A] : memref<321536x128xf32, #tpu.memory_space<hbm>> -> memref<64x128xf32, #tpu.memory_space<hbm>>
    %dma_start3A_34 = arith.constant 0 : i32
    %dma_start3A_35 = tpu.memref_slice %arg4[%mul3A_32, %dma_start3A_34] : memref<321536x128xf32, #tpu.memory_space<hbm>> -> memref<64x128xf32, #tpu.memory_space<hbm>>
    tpu.enqueue_dma source(%dma_start3A_35 : memref<64x128xf32, #tpu.memory_space<hbm>>) target(%arg9 : memref<64x128xf32, #tpu.memory_space<vmem>>) target_semaphore(%arg16 : memref<!tpu.dma_semaphore, #tpu.memory_space<semaphore_mem>>)
    %dma_start3A_36 = arith.constant 0 : i32
    %dma_start3A_37 = arith.constant 0 : i32
    %dma_start3A_38 = tpu.memref_slice %arg7[%dma_start3A_36, %dma_start3A_37] : memref<2x64xi32, #tpu.memory_space<vmem>> -> memref<1x64xi32, #tpu.memory_space<vmem>>
    %dma_start3A_39 = tpu.memref_squeeze %dma_start3A_38 : memref<1x64xi32, #tpu.memory_space<vmem>> -> memref<64xi32, #tpu.memory_space<vmem>>
    %dma_start3A_40 = arith.constant 0 : i32
    %dma_start3A_41 = arith.constant 0 : i32
    %dma_start3A_42 = tpu.memref_slice %arg2[%dma_start3A_40, %dma_start3A_41] : memref<10000x128xf32, #tpu.memory_space<hbm>> -> memref<10000x128xf32, #tpu.memory_space<hbm>>
    tpu.enqueue_indirect_dma source(%dma_start3A_42 : memref<10000x128xf32, #tpu.memory_space<hbm>>) target(%arg11 : memref<64x128xf32, #tpu.memory_space<vmem>>) offsets(%dma_start3A_39 : memref<64xi32, #tpu.memory_space<vmem>>) semaphore(%arg14 : memref<!tpu.dma_semaphore, #tpu.memory_space<semaphore_mem>>)
    %while3A = arith.constant 0 : i32
    %while3A_43 = arith.constant 0 : i32
    %while3A_44 = arith.subi %select_n3A_28, %while3A_43 : i32
    %while3A_45 = arith.addi %while3A_43, %while3A_44 : i32
    %while3A_46 = arith.constant 1 : i32
    %while3A_47 = arith.divsi %while3A_44, %while3A_46 : i32
    %while3A_48 = arith.muli %while3A_47, %while3A_46 : i32
    %while3A_49 = arith.addi %while3A_43, %while3A_48 : i32
    %while3A_50 = arith.constant 1 : i32
    scf.for %while3A_62 = %while3A_43 to %while3A_49 step %while3A_50  : i32 {
      %gt3A = arith.constant 0 : i32
      %gt3A_63 = arith.cmpi sgt, %while3A_62, %gt3A : i32
      %convert_element_type3A = arith.extui %gt3A_63 : i1 to i32
      %cond3A = arith.constant 0 : i32
      %cond3A_64 = arith.cmpi ne, %convert_element_type3A, %cond3A : i32
      scf.if %cond3A_64 {
        %dma_wait3A_154 = arith.constant 1 : i32
        %dma_wait3A_155 = arith.constant 0 : i32
        %dma_wait3A_156 = tpu.memref_slice %arg8[%dma_wait3A_154, %dma_wait3A_155] : memref<2x64xi32, #tpu.memory_space<vmem>> -> memref<1x64xi32, #tpu.memory_space<vmem>>
        %dma_wait3A_157 = tpu.memref_squeeze %dma_wait3A_156 : memref<1x64xi32, #tpu.memory_space<vmem>> -> memref<64xi32, #tpu.memory_space<vmem>>
        %dma_wait3A_158 = arith.constant 0 : i32
        %dma_wait3A_159 = arith.constant 0 : i32
        %dma_wait3A_160 = tpu.memref_slice %arg13[%dma_wait3A_158, %dma_wait3A_159] : memref<10112x128xf32, #tpu.memory_space<vmem_shared>> -> memref<10112x128xf32, #tpu.memory_space<vmem_shared>>
        tpu.wait_indirect_dma semaphore(%arg19 : memref<!tpu.dma_semaphore, #tpu.memory_space<semaphore_mem>>) src(%arg12 : memref<64x128xf32, #tpu.memory_space<vmem>>) dst(%dma_wait3A_160 : memref<10112x128xf32, #tpu.memory_space<vmem_shared>>)
      } else {
      }
      %mul3A_65 = arith.constant 2 : i32
      %mul3A_66 = arith.muli %mul3A_65, %while3A_62 : i32
      %add3A_67 = arith.constant 1 : i32
      %add3A_68 = arith.addi %mul3A_66, %add3A_67 : i32
      %add3A_69 = arith.addi %select_n3A, %add3A_68 : i32
      "tpu.region"() ({
        %run_scoped3A = tpu.sem_alloc : memref<!tpu.dma_semaphore, #tpu.memory_space<semaphore_mem>>
        %dma_start3A_154 = arith.constant 0 : i32
        %dma_start3A_155 = arith.constant 0 : i32
        %dma_start3A_156 = tpu.memref_slice %arg3[%add3A_69, %dma_start3A_154, %dma_start3A_155] : memref<5024x2x64xi32, #tpu.memory_space<hbm>> -> memref<1x2x64xi32, #tpu.memory_space<hbm>>
        %dma_start3A_157 = tpu.memref_squeeze %dma_start3A_156 : memref<1x2x64xi32, #tpu.memory_space<hbm>> -> memref<2x64xi32, #tpu.memory_space<hbm>>
        %dma_start3A_158 = arith.constant 0 : i32
        %dma_start3A_159 = arith.constant 0 : i32
        %dma_start3A_160 = tpu.memref_slice %arg3[%add3A_69, %dma_start3A_158, %dma_start3A_159] : memref<5024x2x64xi32, #tpu.memory_space<hbm>> -> memref<1x2x64xi32, #tpu.memory_space<hbm>>
        %dma_start3A_161 = tpu.memref_squeeze %dma_start3A_160 : memref<1x2x64xi32, #tpu.memory_space<hbm>> -> memref<2x64xi32, #tpu.memory_space<hbm>>
        tpu.enqueue_dma source(%dma_start3A_161 : memref<2x64xi32, #tpu.memory_space<hbm>>) target(%arg8 : memref<2x64xi32, #tpu.memory_space<vmem>>) target_semaphore(%run_scoped3A : memref<!tpu.dma_semaphore, #tpu.memory_space<semaphore_mem>>)
        %dma_wait3A_162 = arith.constant 0 : i32
        %dma_wait3A_163 = arith.constant 0 : i32
        %dma_wait3A_164 = tpu.memref_slice %arg3[%add3A_69, %dma_wait3A_162, %dma_wait3A_163] : memref<5024x2x64xi32, #tpu.memory_space<hbm>> -> memref<1x2x64xi32, #tpu.memory_space<hbm>>
        %dma_wait3A_165 = tpu.memref_squeeze %dma_wait3A_164 : memref<1x2x64xi32, #tpu.memory_space<hbm>> -> memref<2x64xi32, #tpu.memory_space<hbm>>
        %dma_wait3A_166 = arith.constant 0 : i32
        %dma_wait3A_167 = arith.constant 0 : i32
        %dma_wait3A_168 = tpu.memref_slice %arg3[%add3A_69, %dma_wait3A_166, %dma_wait3A_167] : memref<5024x2x64xi32, #tpu.memory_space<hbm>> -> memref<1x2x64xi32, #tpu.memory_space<hbm>>
        %dma_wait3A_169 = tpu.memref_squeeze %dma_wait3A_168 : memref<1x2x64xi32, #tpu.memory_space<hbm>> -> memref<2x64xi32, #tpu.memory_space<hbm>>
        tpu.wait_dma2 semaphore(%run_scoped3A : memref<!tpu.dma_semaphore, #tpu.memory_space<semaphore_mem>>) src(%dma_wait3A_169 : memref<2x64xi32, #tpu.memory_space<hbm>>) dst(%arg8 : memref<2x64xi32, #tpu.memory_space<vmem>>)
        tpu.yield
      }) : () -> ()
      %mul3A_70 = arith.constant 64 : i32
      %mul3A_71 = arith.muli %add3A_69, %mul3A_70 : i32
      %dma_start3A_72 = arith.constant 0 : i32
      %dma_start3A_73 = tpu.memref_slice %arg4[%mul3A_71, %dma_start3A_72] : memref<321536x128xf32, #tpu.memory_space<hbm>> -> memref<64x128xf32, #tpu.memory_space<hbm>>
      %dma_start3A_74 = arith.constant 0 : i32
      %dma_start3A_75 = tpu.memref_slice %arg4[%mul3A_71, %dma_start3A_74] : memref<321536x128xf32, #tpu.memory_space<hbm>> -> memref<64x128xf32, #tpu.memory_space<hbm>>
      tpu.enqueue_dma source(%dma_start3A_75 : memref<64x128xf32, #tpu.memory_space<hbm>>) target(%arg10 : memref<64x128xf32, #tpu.memory_space<vmem>>) target_semaphore(%arg17 : memref<!tpu.dma_semaphore, #tpu.memory_space<semaphore_mem>>)
      %dma_start3A_76 = arith.constant 0 : i32
      %dma_start3A_77 = arith.constant 0 : i32
      %dma_start3A_78 = tpu.memref_slice %arg8[%dma_start3A_76, %dma_start3A_77] : memref<2x64xi32, #tpu.memory_space<vmem>> -> memref<1x64xi32, #tpu.memory_space<vmem>>
      %dma_start3A_79 = tpu.memref_squeeze %dma_start3A_78 : memref<1x64xi32, #tpu.memory_space<vmem>> -> memref<64xi32, #tpu.memory_space<vmem>>
      %dma_start3A_80 = arith.constant 0 : i32
      %dma_start3A_81 = arith.constant 0 : i32
      %dma_start3A_82 = tpu.memref_slice %arg2[%dma_start3A_80, %dma_start3A_81] : memref<10000x128xf32, #tpu.memory_space<hbm>> -> memref<10000x128xf32, #tpu.memory_space<hbm>>
      tpu.enqueue_indirect_dma source(%dma_start3A_82 : memref<10000x128xf32, #tpu.memory_space<hbm>>) target(%arg12 : memref<64x128xf32, #tpu.memory_space<vmem>>) offsets(%dma_start3A_79 : memref<64xi32, #tpu.memory_space<vmem>>) semaphore(%arg15 : memref<!tpu.dma_semaphore, #tpu.memory_space<semaphore_mem>>)
      %mul3A_83 = arith.constant 2 : i32
      %mul3A_84 = arith.muli %mul3A_83, %while3A_62 : i32
      %add3A_85 = arith.addi %select_n3A, %mul3A_84 : i32
      %mul3A_86 = arith.constant 64 : i32
      %mul3A_87 = arith.muli %add3A_85, %mul3A_86 : i32
      %dma_wait3A_88 = arith.constant 0 : i32
      %dma_wait3A_89 = tpu.memref_slice %arg4[%mul3A_87, %dma_wait3A_88] : memref<321536x128xf32, #tpu.memory_space<hbm>> -> memref<64x128xf32, #tpu.memory_space<hbm>>
      %dma_wait3A_90 = arith.constant 0 : i32
      %dma_wait3A_91 = tpu.memref_slice %arg4[%mul3A_87, %dma_wait3A_90] : memref<321536x128xf32, #tpu.memory_space<hbm>> -> memref<64x128xf32, #tpu.memory_space<hbm>>
      tpu.wait_dma2 semaphore(%arg16 : memref<!tpu.dma_semaphore, #tpu.memory_space<semaphore_mem>>) src(%dma_wait3A_91 : memref<64x128xf32, #tpu.memory_space<hbm>>) dst(%arg9 : memref<64x128xf32, #tpu.memory_space<vmem>>)
      %dma_wait3A_92 = arith.constant 0 : i32
      %dma_wait3A_93 = arith.constant 0 : i32
      %dma_wait3A_94 = tpu.memref_slice %arg7[%dma_wait3A_92, %dma_wait3A_93] : memref<2x64xi32, #tpu.memory_space<vmem>> -> memref<1x64xi32, #tpu.memory_space<vmem>>
      %dma_wait3A_95 = tpu.memref_squeeze %dma_wait3A_94 : memref<1x64xi32, #tpu.memory_space<vmem>> -> memref<64xi32, #tpu.memory_space<vmem>>
      %dma_wait3A_96 = arith.constant 0 : i32
      %dma_wait3A_97 = arith.constant 0 : i32
      %dma_wait3A_98 = tpu.memref_slice %arg2[%dma_wait3A_96, %dma_wait3A_97] : memref<10000x128xf32, #tpu.memory_space<hbm>> -> memref<10000x128xf32, #tpu.memory_space<hbm>>
      tpu.wait_indirect_dma semaphore(%arg14 : memref<!tpu.dma_semaphore, #tpu.memory_space<semaphore_mem>>) src(%dma_wait3A_98 : memref<10000x128xf32, #tpu.memory_space<hbm>>) dst(%arg11 : memref<64x128xf32, #tpu.memory_space<vmem>>)
      %scan3A = arith.constant 0 : i32
      %scan3A_99 = arith.constant 0 : i32
      %scan3A_100 = arith.constant 64 : i32
      %scan3A_101 = arith.addi %scan3A_99, %scan3A_100 : i32
      %scan3A_102 = arith.constant 1 : i32
      scf.for %scan3A_154 = %scan3A_99 to %scan3A_101 step %scan3A_102  : i32 {
        %get3A = arith.index_cast %scan3A_154 : i32 to index
        %get3A_155 = arith.constant 0 : index
        %get3A_156 = tpu.vector_load %arg11[%get3A, %get3A_155] {strides = array<i32>} : memref<64x128xf32, #tpu.memory_space<vmem>>, vector<1x16xf32>,
        %get3A_157 = vector.shape_cast %get3A_156 : vector<1x16xf32> to vector<16xf32>
        %get3A_158 = arith.index_cast %scan3A_154 : i32 to index
        %get3A_159 = arith.constant 0 : index
        %get3A_160 = tpu.vector_load %arg9[%get3A_158, %get3A_159] {strides = array<i32>} : memref<64x128xf32, #tpu.memory_space<vmem>>, vector<1x16xf32>,
        %get3A_161 = vector.shape_cast %get3A_160 : vector<1x16xf32> to vector<16xf32>
        %mul3A_162 = arith.mulf %get3A_157, %get3A_161 : vector<16xf32>
        %swap3A = arith.index_cast %scan3A_154 : i32 to index
        %swap3A_163 = arith.constant 0 : index
        %swap3A_164 = tpu.vector_load %arg11[%swap3A, %swap3A_163] {strides = array<i32>} : memref<64x128xf32, #tpu.memory_space<vmem>>, vector<1x16xf32>,
        %swap3A_165 = vector.shape_cast %swap3A_164 : vector<1x16xf32> to vector<16xf32>
        %swap3A_166 = vector.shape_cast %mul3A_162 : vector<16xf32> to vector<1x16xf32>
        tpu.vector_store %arg11[%swap3A, %swap3A_163], %swap3A_166 {strides = array<i32>} : memref<64x128xf32, #tpu.memory_space<vmem>>, vector<1x16xf32>,
        %get3A_167 = arith.index_cast %scan3A_154 : i32 to index
        %get3A_168 = arith.constant 16 : index
        %get3A_169 = tpu.vector_load %arg11[%get3A_167, %get3A_168] {strides = array<i32>} : memref<64x128xf32, #tpu.memory_space<vmem>>, vector<1x16xf32>,
        %get3A_170 = vector.shape_cast %get3A_169 : vector<1x16xf32> to vector<16xf32>
        %get3A_171 = arith.index_cast %scan3A_154 : i32 to index
        %get3A_172 = arith.constant 16 : index
        %get3A_173 = tpu.vector_load %arg9[%get3A_171, %get3A_172] {strides = array<i32>} : memref<64x128xf32, #tpu.memory_space<vmem>>, vector<1x16xf32>,
        %get3A_174 = vector.shape_cast %get3A_173 : vector<1x16xf32> to vector<16xf32>
        %mul3A_175 = arith.mulf %get3A_170, %get3A_174 : vector<16xf32>
        %swap3A_176 = arith.index_cast %scan3A_154 : i32 to index
        %swap3A_177 = arith.constant 16 : index
        %swap3A_178 = tpu.vector_load %arg11[%swap3A_176, %swap3A_177] {strides = array<i32>} : memref<64x128xf32, #tpu.memory_space<vmem>>, vector<1x16xf32>,
        %swap3A_179 = vector.shape_cast %swap3A_178 : vector<1x16xf32> to vector<16xf32>
        %swap3A_180 = vector.shape_cast %mul3A_175 : vector<16xf32> to vector<1x16xf32>
        tpu.vector_store %arg11[%swap3A_176, %swap3A_177], %swap3A_180 {strides = array<i32>} : memref<64x128xf32, #tpu.memory_space<vmem>>, vector<1x16xf32>,
        %get3A_181 = arith.index_cast %scan3A_154 : i32 to index
        %get3A_182 = arith.constant 32 : index
        %get3A_183 = tpu.vector_load %arg11[%get3A_181, %get3A_182] {strides = array<i32>} : memref<64x128xf32, #tpu.memory_space<vmem>>, vector<1x16xf32>,
        %get3A_184 = vector.shape_cast %get3A_183 : vector<1x16xf32> to vector<16xf32>
        %get3A_185 = arith.index_cast %scan3A_154 : i32 to index
        %get3A_186 = arith.constant 32 : index
        %get3A_187 = tpu.vector_load %arg9[%get3A_185, %get3A_186] {strides = array<i32>} : memref<64x128xf32, #tpu.memory_space<vmem>>, vector<1x16xf32>,
        %get3A_188 = vector.shape_cast %get3A_187 : vector<1x16xf32> to vector<16xf32>
        %mul3A_189 = arith.mulf %get3A_184, %get3A_188 : vector<16xf32>
        %swap3A_190 = arith.index_cast %scan3A_154 : i32 to index
        %swap3A_191 = arith.constant 32 : index
        %swap3A_192 = tpu.vector_load %arg11[%swap3A_190, %swap3A_191] {strides = array<i32>} : memref<64x128xf32, #tpu.memory_space<vmem>>, vector<1x16xf32>,
        %swap3A_193 = vector.shape_cast %swap3A_192 : vector<1x16xf32> to vector<16xf32>
        %swap3A_194 = vector.shape_cast %mul3A_189 : vector<16xf32> to vector<1x16xf32>
        tpu.vector_store %arg11[%swap3A_190, %swap3A_191], %swap3A_194 {strides = array<i32>} : memref<64x128xf32, #tpu.memory_space<vmem>>, vector<1x16xf32>,
        %get3A_195 = arith.index_cast %scan3A_154 : i32 to index
        %get3A_196 = arith.constant 48 : index
        %get3A_197 = tpu.vector_load %arg11[%get3A_195, %get3A_196] {strides = array<i32>} : memref<64x128xf32, #tpu.memory_space<vmem>>, vector<1x16xf32>,
        %get3A_198 = vector.shape_cast %get3A_197 : vector<1x16xf32> to vector<16xf32>
        %get3A_199 = arith.index_cast %scan3A_154 : i32 to index
        %get3A_200 = arith.constant 48 : index
        %get3A_201 = tpu.vector_load %arg9[%get3A_199, %get3A_200] {strides = array<i32>} : memref<64x128xf32, #tpu.memory_space<vmem>>, vector<1x16xf32>,
        %get3A_202 = vector.shape_cast %get3A_201 : vector<1x16xf32> to vector<16xf32>
        %mul3A_203 = arith.mulf %get3A_198, %get3A_202 : vector<16xf32>
        %swap3A_204 = arith.index_cast %scan3A_154 : i32 to index
        %swap3A_205 = arith.constant 48 : index
        %swap3A_206 = tpu.vector_load %arg11[%swap3A_204, %swap3A_205] {strides = array<i32>} : memref<64x128xf32, #tpu.memory_space<vmem>>, vector<1x16xf32>,
        %swap3A_207 = vector.shape_cast %swap3A_206 : vector<1x16xf32> to vector<16xf32>
        %swap3A_208 = vector.shape_cast %mul3A_203 : vector<16xf32> to vector<1x16xf32>
        tpu.vector_store %arg11[%swap3A_204, %swap3A_205], %swap3A_208 {strides = array<i32>} : memref<64x128xf32, #tpu.memory_space<vmem>>, vector<1x16xf32>,
        %get3A_209 = arith.index_cast %scan3A_154 : i32 to index
        %get3A_210 = arith.constant 64 : index
        %get3A_211 = tpu.vector_load %arg11[%get3A_209, %get3A_210] {strides = array<i32>} : memref<64x128xf32, #tpu.memory_space<vmem>>, vector<1x16xf32>,
        %get3A_212 = vector.shape_cast %get3A_211 : vector<1x16xf32> to vector<16xf32>
        %get3A_213 = arith.index_cast %scan3A_154 : i32 to index
        %get3A_214 = arith.constant 64 : index
        %get3A_215 = tpu.vector_load %arg9[%get3A_213, %get3A_214] {strides = array<i32>} : memref<64x128xf32, #tpu.memory_space<vmem>>, vector<1x16xf32>,
        %get3A_216 = vector.shape_cast %get3A_215 : vector<1x16xf32> to vector<16xf32>
        %mul3A_217 = arith.mulf %get3A_212, %get3A_216 : vector<16xf32>
        %swap3A_218 = arith.index_cast %scan3A_154 : i32 to index
        %swap3A_219 = arith.constant 64 : index
        %swap3A_220 = tpu.vector_load %arg11[%swap3A_218, %swap3A_219] {strides = array<i32>} : memref<64x128xf32, #tpu.memory_space<vmem>>, vector<1x16xf32>,
        %swap3A_221 = vector.shape_cast %swap3A_220 : vector<1x16xf32> to vector<16xf32>
        %swap3A_222 = vector.shape_cast %mul3A_217 : vector<16xf32> to vector<1x16xf32>
        tpu.vector_store %arg11[%swap3A_218, %swap3A_219], %swap3A_222 {strides = array<i32>} : memref<64x128xf32, #tpu.memory_space<vmem>>, vector<1x16xf32>,
        %get3A_223 = arith.index_cast %scan3A_154 : i32 to index
        %get3A_224 = arith.constant 80 : index
        %get3A_225 = tpu.vector_load %arg11[%get3A_223, %get3A_224] {strides = array<i32>} : memref<64x128xf32, #tpu.memory_space<vmem>>, vector<1x16xf32>,
        %get3A_226 = vector.shape_cast %get3A_225 : vector<1x16xf32> to vector<16xf32>
        %get3A_227 = arith.index_cast %scan3A_154 : i32 to index
        %get3A_228 = arith.constant 80 : index
        %get3A_229 = tpu.vector_load %arg9[%get3A_227, %get3A_228] {strides = array<i32>} : memref<64x128xf32, #tpu.memory_space<vmem>>, vector<1x16xf32>,
        %get3A_230 = vector.shape_cast %get3A_229 : vector<1x16xf32> to vector<16xf32>
        %mul3A_231 = arith.mulf %get3A_226, %get3A_230 : vector<16xf32>
        %swap3A_232 = arith.index_cast %scan3A_154 : i32 to index
        %swap3A_233 = arith.constant 80 : index
        %swap3A_234 = tpu.vector_load %arg11[%swap3A_232, %swap3A_233] {strides = array<i32>} : memref<64x128xf32, #tpu.memory_space<vmem>>, vector<1x16xf32>,
        %swap3A_235 = vector.shape_cast %swap3A_234 : vector<1x16xf32> to vector<16xf32>
        %swap3A_236 = vector.shape_cast %mul3A_231 : vector<16xf32> to vector<1x16xf32>
        tpu.vector_store %arg11[%swap3A_232, %swap3A_233], %swap3A_236 {strides = array<i32>} : memref<64x128xf32, #tpu.memory_space<vmem>>, vector<1x16xf32>,
        %get3A_237 = arith.index_cast %scan3A_154 : i32 to index
        %get3A_238 = arith.constant 96 : index
        %get3A_239 = tpu.vector_load %arg11[%get3A_237, %get3A_238] {strides = array<i32>} : memref<64x128xf32, #tpu.memory_space<vmem>>, vector<1x16xf32>,
        %get3A_240 = vector.shape_cast %get3A_239 : vector<1x16xf32> to vector<16xf32>
        %get3A_241 = arith.index_cast %scan3A_154 : i32 to index
        %get3A_242 = arith.constant 96 : index
        %get3A_243 = tpu.vector_load %arg9[%get3A_241, %get3A_242] {strides = array<i32>} : memref<64x128xf32, #tpu.memory_space<vmem>>, vector<1x16xf32>,
        %get3A_244 = vector.shape_cast %get3A_243 : vector<1x16xf32> to vector<16xf32>
        %mul3A_245 = arith.mulf %get3A_240, %get3A_244 : vector<16xf32>
        %swap3A_246 = arith.index_cast %scan3A_154 : i32 to index
        %swap3A_247 = arith.constant 96 : index
        %swap3A_248 = tpu.vector_load %arg11[%swap3A_246, %swap3A_247] {strides = array<i32>} : memref<64x128xf32, #tpu.memory_space<vmem>>, vector<1x16xf32>,
        %swap3A_249 = vector.shape_cast %swap3A_248 : vector<1x16xf32> to vector<16xf32>
        %swap3A_250 = vector.shape_cast %mul3A_245 : vector<16xf32> to vector<1x16xf32>
        tpu.vector_store %arg11[%swap3A_246, %swap3A_247], %swap3A_250 {strides = array<i32>} : memref<64x128xf32, #tpu.memory_space<vmem>>, vector<1x16xf32>,
        %get3A_251 = arith.index_cast %scan3A_154 : i32 to index
        %get3A_252 = arith.constant 112 : index
        %get3A_253 = tpu.vector_load %arg11[%get3A_251, %get3A_252] {strides = array<i32>} : memref<64x128xf32, #tpu.memory_space<vmem>>, vector<1x16xf32>,
        %get3A_254 = vector.shape_cast %get3A_253 : vector<1x16xf32> to vector<16xf32>
        %get3A_255 = arith.index_cast %scan3A_154 : i32 to index
        %get3A_256 = arith.constant 112 : index
        %get3A_257 = tpu.vector_load %arg9[%get3A_255, %get3A_256] {strides = array<i32>} : memref<64x128xf32, #tpu.memory_space<vmem>>, vector<1x16xf32>,
        %get3A_258 = vector.shape_cast %get3A_257 : vector<1x16xf32> to vector<16xf32>
        %mul3A_259 = arith.mulf %get3A_254, %get3A_258 : vector<16xf32>
        %swap3A_260 = arith.index_cast %scan3A_154 : i32 to index
        %swap3A_261 = arith.constant 112 : index
        %swap3A_262 = tpu.vector_load %arg11[%swap3A_260, %swap3A_261] {strides = array<i32>} : memref<64x128xf32, #tpu.memory_space<vmem>>, vector<1x16xf32>,
        %swap3A_263 = vector.shape_cast %swap3A_262 : vector<1x16xf32> to vector<16xf32>
        %swap3A_264 = vector.shape_cast %mul3A_259 : vector<16xf32> to vector<1x16xf32>
        tpu.vector_store %arg11[%swap3A_260, %swap3A_261], %swap3A_264 {strides = array<i32>} : memref<64x128xf32, #tpu.memory_space<vmem>>, vector<1x16xf32>,
      }
      %scan3A_103 = arith.constant 64 : i32
      %dma_start3A_104 = arith.constant 1 : i32
      %dma_start3A_105 = arith.constant 0 : i32
      %dma_start3A_106 = tpu.memref_slice %arg7[%dma_start3A_104, %dma_start3A_105] : memref<2x64xi32, #tpu.memory_space<vmem>> -> memref<1x64xi32, #tpu.memory_space<vmem>>
      %dma_start3A_107 = tpu.memref_squeeze %dma_start3A_106 : memref<1x64xi32, #tpu.memory_space<vmem>> -> memref<64xi32, #tpu.memory_space<vmem>>
      %dma_start3A_108 = arith.constant 0 : i32
      %dma_start3A_109 = arith.constant 0 : i32
      %dma_start3A_110 = tpu.memref_slice %arg13[%dma_start3A_108, %dma_start3A_109] : memref<10112x128xf32, #tpu.memory_space<vmem_shared>> -> memref<10112x128xf32, #tpu.memory_space<vmem_shared>>
      tpu.enqueue_indirect_dma source(%arg11 : memref<64x128xf32, #tpu.memory_space<vmem>>) target(%dma_start3A_110 : memref<10112x128xf32, #tpu.memory_space<vmem_shared>>) offsets(%dma_start3A_107 : memref<64xi32, #tpu.memory_space<vmem>>) semaphore(%arg18 : memref<!tpu.dma_semaphore, #tpu.memory_space<semaphore_mem>>) {add = true}
      %dma_wait3A_111 = arith.constant 1 : i32
      %dma_wait3A_112 = arith.constant 0 : i32
      %dma_wait3A_113 = tpu.memref_slice %arg7[%dma_wait3A_111, %dma_wait3A_112] : memref<2x64xi32, #tpu.memory_space<vmem>> -> memref<1x64xi32, #tpu.memory_space<vmem>>
      %dma_wait3A_114 = tpu.memref_squeeze %dma_wait3A_113 : memref<1x64xi32, #tpu.memory_space<vmem>> -> memref<64xi32, #tpu.memory_space<vmem>>
      %dma_wait3A_115 = arith.constant 0 : i32
      %dma_wait3A_116 = arith.constant 0 : i32
      %dma_wait3A_117 = tpu.memref_slice %arg13[%dma_wait3A_115, %dma_wait3A_116] : memref<10112x128xf32, #tpu.memory_space<vmem_shared>> -> memref<10112x128xf32, #tpu.memory_space<vmem_shared>>
      tpu.wait_indirect_dma semaphore(%arg18 : memref<!tpu.dma_semaphore, #tpu.memory_space<semaphore_mem>>) src(%arg11 : memref<64x128xf32, #tpu.memory_space<vmem>>) dst(%dma_wait3A_117 : memref<10112x128xf32, #tpu.memory_space<vmem_shared>>)
      %sub3A_118 = arith.constant 1 : i32
      %sub3A_119 = arith.subi %select_n3A_28, %sub3A_118 : i32
      %lt3A = arith.cmpi slt, %while3A_62, %sub3A_119 : i32
      %convert_element_type3A_120 = arith.extui %lt3A : i1 to i32
      %cond3A_121 = arith.constant 0 : i32
      %cond3A_122 = arith.cmpi ne, %convert_element_type3A_120, %cond3A_121 : i32
      scf.if %cond3A_122 {
        %mul3A_154 = arith.constant 2 : i32
        %mul3A_155 = arith.muli %mul3A_154, %while3A_62 : i32
        %add3A_156 = arith.constant 2 : i32
        %add3A_157 = arith.addi %mul3A_155, %add3A_156 : i32
        %add3A_158 = arith.addi %select_n3A, %add3A_157 : i32
        "tpu.region"() ({
          %run_scoped3A = tpu.sem_alloc : memref<!tpu.dma_semaphore, #tpu.memory_space<semaphore_mem>>
          %dma_start3A_172 = arith.constant 0 : i32
          %dma_start3A_173 = arith.constant 0 : i32
          %dma_start3A_174 = tpu.memref_slice %arg3[%add3A_158, %dma_start3A_172, %dma_start3A_173] : memref<5024x2x64xi32, #tpu.memory_space<hbm>> -> memref<1x2x64xi32, #tpu.memory_space<hbm>>
          %dma_start3A_175 = tpu.memref_squeeze %dma_start3A_174 : memref<1x2x64xi32, #tpu.memory_space<hbm>> -> memref<2x64xi32, #tpu.memory_space<hbm>>
          %dma_start3A_176 = arith.constant 0 : i32
          %dma_start3A_177 = arith.constant 0 : i32
          %dma_start3A_178 = tpu.memref_slice %arg3[%add3A_158, %dma_start3A_176, %dma_start3A_177] : memref<5024x2x64xi32, #tpu.memory_space<hbm>> -> memref<1x2x64xi32, #tpu.memory_space<hbm>>
          %dma_start3A_179 = tpu.memref_squeeze %dma_start3A_178 : memref<1x2x64xi32, #tpu.memory_space<hbm>> -> memref<2x64xi32, #tpu.memory_space<hbm>>
          tpu.enqueue_dma source(%dma_start3A_179 : memref<2x64xi32, #tpu.memory_space<hbm>>) target(%arg7 : memref<2x64xi32, #tpu.memory_space<vmem>>) target_semaphore(%run_scoped3A : memref<!tpu.dma_semaphore, #tpu.memory_space<semaphore_mem>>)
          %dma_wait3A_180 = arith.constant 0 : i32
          %dma_wait3A_181 = arith.constant 0 : i32
          %dma_wait3A_182 = tpu.memref_slice %arg3[%add3A_158, %dma_wait3A_180, %dma_wait3A_181] : memref<5024x2x64xi32, #tpu.memory_space<hbm>> -> memref<1x2x64xi32, #tpu.memory_space<hbm>>
          %dma_wait3A_183 = tpu.memref_squeeze %dma_wait3A_182 : memref<1x2x64xi32, #tpu.memory_space<hbm>> -> memref<2x64xi32, #tpu.memory_space<hbm>>
          %dma_wait3A_184 = arith.constant 0 : i32
          %dma_wait3A_185 = arith.constant 0 : i32
          %dma_wait3A_186 = tpu.memref_slice %arg3[%add3A_158, %dma_wait3A_184, %dma_wait3A_185] : memref<5024x2x64xi32, #tpu.memory_space<hbm>> -> memref<1x2x64xi32, #tpu.memory_space<hbm>>
          %dma_wait3A_187 = tpu.memref_squeeze %dma_wait3A_186 : memref<1x2x64xi32, #tpu.memory_space<hbm>> -> memref<2x64xi32, #tpu.memory_space<hbm>>
          tpu.wait_dma2 semaphore(%run_scoped3A : memref<!tpu.dma_semaphore, #tpu.memory_space<semaphore_mem>>) src(%dma_wait3A_187 : memref<2x64xi32, #tpu.memory_space<hbm>>) dst(%arg7 : memref<2x64xi32, #tpu.memory_space<vmem>>)
          tpu.yield
        }) : () -> ()
        %mul3A_159 = arith.constant 64 : i32
        %mul3A_160 = arith.muli %add3A_158, %mul3A_159 : i32
        %dma_start3A_161 = arith.constant 0 : i32
        %dma_start3A_162 = tpu.memref_slice %arg4[%mul3A_160, %dma_start3A_161] : memref<321536x128xf32, #tpu.memory_space<hbm>> -> memref<64x128xf32, #tpu.memory_space<hbm>>
        %dma_start3A_163 = arith.constant 0 : i32
        %dma_start3A_164 = tpu.memref_slice %arg4[%mul3A_160, %dma_start3A_163] : memref<321536x128xf32, #tpu.memory_space<hbm>> -> memref<64x128xf32, #tpu.memory_space<hbm>>
        tpu.enqueue_dma source(%dma_start3A_164 : memref<64x128xf32, #tpu.memory_space<hbm>>) target(%arg9 : memref<64x128xf32, #tpu.memory_space<vmem>>) target_semaphore(%arg16 : memref<!tpu.dma_semaphore, #tpu.memory_space<semaphore_mem>>)
        %dma_start3A_165 = arith.constant 0 : i32
        %dma_start3A_166 = arith.constant 0 : i32
        %dma_start3A_167 = tpu.memref_slice %arg7[%dma_start3A_165, %dma_start3A_166] : memref<2x64xi32, #tpu.memory_space<vmem>> -> memref<1x64xi32, #tpu.memory_space<vmem>>
        %dma_start3A_168 = tpu.memref_squeeze %dma_start3A_167 : memref<1x64xi32, #tpu.memory_space<vmem>> -> memref<64xi32, #tpu.memory_space<vmem>>
        %dma_start3A_169 = arith.constant 0 : i32
        %dma_start3A_170 = arith.constant 0 : i32
        %dma_start3A_171 = tpu.memref_slice %arg2[%dma_start3A_169, %dma_start3A_170] : memref<10000x128xf32, #tpu.memory_space<hbm>> -> memref<10000x128xf32, #tpu.memory_space<hbm>>
        tpu.enqueue_indirect_dma source(%dma_start3A_171 : memref<10000x128xf32, #tpu.memory_space<hbm>>) target(%arg11 : memref<64x128xf32, #tpu.memory_space<vmem>>) offsets(%dma_start3A_168 : memref<64xi32, #tpu.memory_space<vmem>>) semaphore(%arg14 : memref<!tpu.dma_semaphore, #tpu.memory_space<semaphore_mem>>)
      } else {
      }
      %mul3A_123 = arith.constant 2 : i32
      %mul3A_124 = arith.muli %mul3A_123, %while3A_62 : i32
      %add3A_125 = arith.constant 1 : i32
      %add3A_126 = arith.addi %mul3A_124, %add3A_125 : i32
      %add3A_127 = arith.addi %select_n3A, %add3A_126 : i32
      %mul3A_128 = arith.constant 64 : i32
      %mul3A_129 = arith.muli %add3A_127, %mul3A_128 : i32
      %dma_wait3A_130 = arith.constant 0 : i32
      %dma_wait3A_131 = tpu.memref_slice %arg4[%mul3A_129, %dma_wait3A_130] : memref<321536x128xf32, #tpu.memory_space<hbm>> -> memref<64x128xf32, #tpu.memory_space<hbm>>
      %dma_wait3A_132 = arith.constant 0 : i32
      %dma_wait3A_133 = tpu.memref_slice %arg4[%mul3A_129, %dma_wait3A_132] : memref<321536x128xf32, #tpu.memory_space<hbm>> -> memref<64x128xf32, #tpu.memory_space<hbm>>
      tpu.wait_dma2 semaphore(%arg17 : memref<!tpu.dma_semaphore, #tpu.memory_space<semaphore_mem>>) src(%dma_wait3A_133 : memref<64x128xf32, #tpu.memory_space<hbm>>) dst(%arg10 : memref<64x128xf32, #tpu.memory_space<vmem>>)
      %dma_wait3A_134 = arith.constant 0 : i32
      %dma_wait3A_135 = arith.constant 0 : i32
      %dma_wait3A_136 = tpu.memref_slice %arg8[%dma_wait3A_134, %dma_wait3A_135] : memref<2x64xi32, #tpu.memory_space<vmem>> -> memref<1x64xi32, #tpu.memory_space<vmem>>
      %dma_wait3A_137 = tpu.memref_squeeze %dma_wait3A_136 : memref<1x64xi32, #tpu.memory_space<vmem>> -> memref<64xi32, #tpu.memory_space<vmem>>
      %dma_wait3A_138 = arith.constant 0 : i32
      %dma_wait3A_139 = arith.constant 0 : i32
      %dma_wait3A_140 = tpu.memref_slice %arg2[%dma_wait3A_138, %dma_wait3A_139] : memref<10000x128xf32, #tpu.memory_space<hbm>> -> memref<10000x128xf32, #tpu.memory_space<hbm>>
      tpu.wait_indirect_dma semaphore(%arg15 : memref<!tpu.dma_semaphore, #tpu.memory_space<semaphore_mem>>) src(%dma_wait3A_140 : memref<10000x128xf32, #tpu.memory_space<hbm>>) dst(%arg12 : memref<64x128xf32, #tpu.memory_space<vmem>>)
      %scan3A_141 = arith.constant 0 : i32
      %scan3A_142 = arith.constant 0 : i32
      %scan3A_143 = arith.constant 64 : i32
      %scan3A_144 = arith.addi %scan3A_142, %scan3A_143 : i32
      %scan3A_145 = arith.constant 1 : i32
      scf.for %scan3A_154 = %scan3A_142 to %scan3A_144 step %scan3A_145  : i32 {
        %get3A = arith.index_cast %scan3A_154 : i32 to index
        %get3A_155 = arith.constant 0 : index
        %get3A_156 = tpu.vector_load %arg12[%get3A, %get3A_155] {strides = array<i32>} : memref<64x128xf32, #tpu.memory_space<vmem>>, vector<1x16xf32>,
        %get3A_157 = vector.shape_cast %get3A_156 : vector<1x16xf32> to vector<16xf32>
        %get3A_158 = arith.index_cast %scan3A_154 : i32 to index
        %get3A_159 = arith.constant 0 : index
        %get3A_160 = tpu.vector_load %arg10[%get3A_158, %get3A_159] {strides = array<i32>} : memref<64x128xf32, #tpu.memory_space<vmem>>, vector<1x16xf32>,
        %get3A_161 = vector.shape_cast %get3A_160 : vector<1x16xf32> to vector<16xf32>
        %mul3A_162 = arith.mulf %get3A_157, %get3A_161 : vector<16xf32>
        %swap3A = arith.index_cast %scan3A_154 : i32 to index
        %swap3A_163 = arith.constant 0 : index
        %swap3A_164 = tpu.vector_load %arg12[%swap3A, %swap3A_163] {strides = array<i32>} : memref<64x128xf32, #tpu.memory_space<vmem>>, vector<1x16xf32>,
        %swap3A_165 = vector.shape_cast %swap3A_164 : vector<1x16xf32> to vector<16xf32>
        %swap3A_166 = vector.shape_cast %mul3A_162 : vector<16xf32> to vector<1x16xf32>
        tpu.vector_store %arg12[%swap3A, %swap3A_163], %swap3A_166 {strides = array<i32>} : memref<64x128xf32, #tpu.memory_space<vmem>>, vector<1x16xf32>,
        %get3A_167 = arith.index_cast %scan3A_154 : i32 to index
        %get3A_168 = arith.constant 16 : index
        %get3A_169 = tpu.vector_load %arg12[%get3A_167, %get3A_168] {strides = array<i32>} : memref<64x128xf32, #tpu.memory_space<vmem>>, vector<1x16xf32>,
        %get3A_170 = vector.shape_cast %get3A_169 : vector<1x16xf32> to vector<16xf32>
        %get3A_171 = arith.index_cast %scan3A_154 : i32 to index
        %get3A_172 = arith.constant 16 : index
        %get3A_173 = tpu.vector_load %arg10[%get3A_171, %get3A_172] {strides = array<i32>} : memref<64x128xf32, #tpu.memory_space<vmem>>, vector<1x16xf32>,
        %get3A_174 = vector.shape_cast %get3A_173 : vector<1x16xf32> to vector<16xf32>
        %mul3A_175 = arith.mulf %get3A_170, %get3A_174 : vector<16xf32>
        %swap3A_176 = arith.index_cast %scan3A_154 : i32 to index
        %swap3A_177 = arith.constant 16 : index
        %swap3A_178 = tpu.vector_load %arg12[%swap3A_176, %swap3A_177] {strides = array<i32>} : memref<64x128xf32, #tpu.memory_space<vmem>>, vector<1x16xf32>,
        %swap3A_179 = vector.shape_cast %swap3A_178 : vector<1x16xf32> to vector<16xf32>
        %swap3A_180 = vector.shape_cast %mul3A_175 : vector<16xf32> to vector<1x16xf32>
        tpu.vector_store %arg12[%swap3A_176, %swap3A_177], %swap3A_180 {strides = array<i32>} : memref<64x128xf32, #tpu.memory_space<vmem>>, vector<1x16xf32>,
        %get3A_181 = arith.index_cast %scan3A_154 : i32 to index
        %get3A_182 = arith.constant 32 : index
        %get3A_183 = tpu.vector_load %arg12[%get3A_181, %get3A_182] {strides = array<i32>} : memref<64x128xf32, #tpu.memory_space<vmem>>, vector<1x16xf32>,
        %get3A_184 = vector.shape_cast %get3A_183 : vector<1x16xf32> to vector<16xf32>
        %get3A_185 = arith.index_cast %scan3A_154 : i32 to index
        %get3A_186 = arith.constant 32 : index
        %get3A_187 = tpu.vector_load %arg10[%get3A_185, %get3A_186] {strides = array<i32>} : memref<64x128xf32, #tpu.memory_space<vmem>>, vector<1x16xf32>,
        %get3A_188 = vector.shape_cast %get3A_187 : vector<1x16xf32> to vector<16xf32>
        %mul3A_189 = arith.mulf %get3A_184, %get3A_188 : vector<16xf32>
        %swap3A_190 = arith.index_cast %scan3A_154 : i32 to index
        %swap3A_191 = arith.constant 32 : index
        %swap3A_192 = tpu.vector_load %arg12[%swap3A_190, %swap3A_191] {strides = array<i32>} : memref<64x128xf32, #tpu.memory_space<vmem>>, vector<1x16xf32>,
        %swap3A_193 = vector.shape_cast %swap3A_192 : vector<1x16xf32> to vector<16xf32>
        %swap3A_194 = vector.shape_cast %mul3A_189 : vector<16xf32> to vector<1x16xf32>
        tpu.vector_store %arg12[%swap3A_190, %swap3A_191], %swap3A_194 {strides = array<i32>} : memref<64x128xf32, #tpu.memory_space<vmem>>, vector<1x16xf32>,
        %get3A_195 = arith.index_cast %scan3A_154 : i32 to index
        %get3A_196 = arith.constant 48 : index
        %get3A_197 = tpu.vector_load %arg12[%get3A_195, %get3A_196] {strides = array<i32>} : memref<64x128xf32, #tpu.memory_space<vmem>>, vector<1x16xf32>,
        %get3A_198 = vector.shape_cast %get3A_197 : vector<1x16xf32> to vector<16xf32>
        %get3A_199 = arith.index_cast %scan3A_154 : i32 to index
        %get3A_200 = arith.constant 48 : index
        %get3A_201 = tpu.vector_load %arg10[%get3A_199, %get3A_200] {strides = array<i32>} : memref<64x128xf32, #tpu.memory_space<vmem>>, vector<1x16xf32>,
        %get3A_202 = vector.shape_cast %get3A_201 : vector<1x16xf32> to vector<16xf32>
        %mul3A_203 = arith.mulf %get3A_198, %get3A_202 : vector<16xf32>
        %swap3A_204 = arith.index_cast %scan3A_154 : i32 to index
        %swap3A_205 = arith.constant 48 : index
        %swap3A_206 = tpu.vector_load %arg12[%swap3A_204, %swap3A_205] {strides = array<i32>} : memref<64x128xf32, #tpu.memory_space<vmem>>, vector<1x16xf32>,
        %swap3A_207 = vector.shape_cast %swap3A_206 : vector<1x16xf32> to vector<16xf32>
        %swap3A_208 = vector.shape_cast %mul3A_203 : vector<16xf32> to vector<1x16xf32>
        tpu.vector_store %arg12[%swap3A_204, %swap3A_205], %swap3A_208 {strides = array<i32>} : memref<64x128xf32, #tpu.memory_space<vmem>>, vector<1x16xf32>,
        %get3A_209 = arith.index_cast %scan3A_154 : i32 to index
        %get3A_210 = arith.constant 64 : index
        %get3A_211 = tpu.vector_load %arg12[%get3A_209, %get3A_210] {strides = array<i32>} : memref<64x128xf32, #tpu.memory_space<vmem>>, vector<1x16xf32>,
        %get3A_212 = vector.shape_cast %get3A_211 : vector<1x16xf32> to vector<16xf32>
        %get3A_213 = arith.index_cast %scan3A_154 : i32 to index
        %get3A_214 = arith.constant 64 : index
        %get3A_215 = tpu.vector_load %arg10[%get3A_213, %get3A_214] {strides = array<i32>} : memref<64x128xf32, #tpu.memory_space<vmem>>, vector<1x16xf32>,
        %get3A_216 = vector.shape_cast %get3A_215 : vector<1x16xf32> to vector<16xf32>
        %mul3A_217 = arith.mulf %get3A_212, %get3A_216 : vector<16xf32>
        %swap3A_218 = arith.index_cast %scan3A_154 : i32 to index
        %swap3A_219 = arith.constant 64 : index
        %swap3A_220 = tpu.vector_load %arg12[%swap3A_218, %swap3A_219] {strides = array<i32>} : memref<64x128xf32, #tpu.memory_space<vmem>>, vector<1x16xf32>,
        %swap3A_221 = vector.shape_cast %swap3A_220 : vector<1x16xf32> to vector<16xf32>
        %swap3A_222 = vector.shape_cast %mul3A_217 : vector<16xf32> to vector<1x16xf32>
        tpu.vector_store %arg12[%swap3A_218, %swap3A_219], %swap3A_222 {strides = array<i32>} : memref<64x128xf32, #tpu.memory_space<vmem>>, vector<1x16xf32>,
        %get3A_223 = arith.index_cast %scan3A_154 : i32 to index
        %get3A_224 = arith.constant 80 : index
        %get3A_225 = tpu.vector_load %arg12[%get3A_223, %get3A_224] {strides = array<i32>} : memref<64x128xf32, #tpu.memory_space<vmem>>, vector<1x16xf32>,
        %get3A_226 = vector.shape_cast %get3A_225 : vector<1x16xf32> to vector<16xf32>
        %get3A_227 = arith.index_cast %scan3A_154 : i32 to index
        %get3A_228 = arith.constant 80 : index
        %get3A_229 = tpu.vector_load %arg10[%get3A_227, %get3A_228] {strides = array<i32>} : memref<64x128xf32, #tpu.memory_space<vmem>>, vector<1x16xf32>,
        %get3A_230 = vector.shape_cast %get3A_229 : vector<1x16xf32> to vector<16xf32>
        %mul3A_231 = arith.mulf %get3A_226, %get3A_230 : vector<16xf32>
        %swap3A_232 = arith.index_cast %scan3A_154 : i32 to index
        %swap3A_233 = arith.constant 80 : index
        %swap3A_234 = tpu.vector_load %arg12[%swap3A_232, %swap3A_233] {strides = array<i32>} : memref<64x128xf32, #tpu.memory_space<vmem>>, vector<1x16xf32>,
        %swap3A_235 = vector.shape_cast %swap3A_234 : vector<1x16xf32> to vector<16xf32>
        %swap3A_236 = vector.shape_cast %mul3A_231 : vector<16xf32> to vector<1x16xf32>
        tpu.vector_store %arg12[%swap3A_232, %swap3A_233], %swap3A_236 {strides = array<i32>} : memref<64x128xf32, #tpu.memory_space<vmem>>, vector<1x16xf32>,
        %get3A_237 = arith.index_cast %scan3A_154 : i32 to index
        %get3A_238 = arith.constant 96 : index
        %get3A_239 = tpu.vector_load %arg12[%get3A_237, %get3A_238] {strides = array<i32>} : memref<64x128xf32, #tpu.memory_space<vmem>>, vector<1x16xf32>,
        %get3A_240 = vector.shape_cast %get3A_239 : vector<1x16xf32> to vector<16xf32>
        %get3A_241 = arith.index_cast %scan3A_154 : i32 to index
        %get3A_242 = arith.constant 96 : index
        %get3A_243 = tpu.vector_load %arg10[%get3A_241, %get3A_242] {strides = array<i32>} : memref<64x128xf32, #tpu.memory_space<vmem>>, vector<1x16xf32>,
        %get3A_244 = vector.shape_cast %get3A_243 : vector<1x16xf32> to vector<16xf32>
        %mul3A_245 = arith.mulf %get3A_240, %get3A_244 : vector<16xf32>
        %swap3A_246 = arith.index_cast %scan3A_154 : i32 to index
        %swap3A_247 = arith.constant 96 : index
        %swap3A_248 = tpu.vector_load %arg12[%swap3A_246, %swap3A_247] {strides = array<i32>} : memref<64x128xf32, #tpu.memory_space<vmem>>, vector<1x16xf32>,
        %swap3A_249 = vector.shape_cast %swap3A_248 : vector<1x16xf32> to vector<16xf32>
        %swap3A_250 = vector.shape_cast %mul3A_245 : vector<16xf32> to vector<1x16xf32>
        tpu.vector_store %arg12[%swap3A_246, %swap3A_247], %swap3A_250 {strides = array<i32>} : memref<64x128xf32, #tpu.memory_space<vmem>>, vector<1x16xf32>,
        %get3A_251 = arith.index_cast %scan3A_154 : i32 to index
        %get3A_252 = arith.constant 112 : index
        %get3A_253 = tpu.vector_load %arg12[%get3A_251, %get3A_252] {strides = array<i32>} : memref<64x128xf32, #tpu.memory_space<vmem>>, vector<1x16xf32>,
        %get3A_254 = vector.shape_cast %get3A_253 : vector<1x16xf32> to vector<16xf32>
        %get3A_255 = arith.index_cast %scan3A_154 : i32 to index
        %get3A_256 = arith.constant 112 : index
        %get3A_257 = tpu.vector_load %arg10[%get3A_255, %get3A_256] {strides = array<i32>} : memref<64x128xf32, #tpu.memory_space<vmem>>, vector<1x16xf32>,
        %get3A_258 = vector.shape_cast %get3A_257 : vector<1x16xf32> to vector<16xf32>
        %mul3A_259 = arith.mulf %get3A_254, %get3A_258 : vector<16xf32>
        %swap3A_260 = arith.index_cast %scan3A_154 : i32 to index
        %swap3A_261 = arith.constant 112 : index
        %swap3A_262 = tpu.vector_load %arg12[%swap3A_260, %swap3A_261] {strides = array<i32>} : memref<64x128xf32, #tpu.memory_space<vmem>>, vector<1x16xf32>,
        %swap3A_263 = vector.shape_cast %swap3A_262 : vector<1x16xf32> to vector<16xf32>
        %swap3A_264 = vector.shape_cast %mul3A_259 : vector<16xf32> to vector<1x16xf32>
        tpu.vector_store %arg12[%swap3A_260, %swap3A_261], %swap3A_264 {strides = array<i32>} : memref<64x128xf32, #tpu.memory_space<vmem>>, vector<1x16xf32>,
      }
      %scan3A_146 = arith.constant 64 : i32
      %dma_start3A_147 = arith.constant 1 : i32
      %dma_start3A_148 = arith.constant 0 : i32
      %dma_start3A_149 = tpu.memref_slice %arg8[%dma_start3A_147, %dma_start3A_148] : memref<2x64xi32, #tpu.memory_space<vmem>> -> memref<1x64xi32, #tpu.memory_space<vmem>>
      %dma_start3A_150 = tpu.memref_squeeze %dma_start3A_149 : memref<1x64xi32, #tpu.memory_space<vmem>> -> memref<64xi32, #tpu.memory_space<vmem>>
      %dma_start3A_151 = arith.constant 0 : i32
      %dma_start3A_152 = arith.constant 0 : i32
      %dma_start3A_153 = tpu.memref_slice %arg13[%dma_start3A_151, %dma_start3A_152] : memref<10112x128xf32, #tpu.memory_space<vmem_shared>> -> memref<10112x128xf32, #tpu.memory_space<vmem_shared>>
      tpu.enqueue_indirect_dma source(%arg12 : memref<64x128xf32, #tpu.memory_space<vmem>>) target(%dma_start3A_153 : memref<10112x128xf32, #tpu.memory_space<vmem_shared>>) offsets(%dma_start3A_150 : memref<64xi32, #tpu.memory_space<vmem>>) semaphore(%arg19 : memref<!tpu.dma_semaphore, #tpu.memory_space<semaphore_mem>>) {add = true}
    }
    %while3A_51 = arith.constant 1 : i32
    scf.for %while3A_62 = %while3A_49 to %while3A_45 step %while3A_51  : i32 {
      %gt3A = arith.constant 0 : i32
      %gt3A_63 = arith.cmpi sgt, %while3A_62, %gt3A : i32
      %convert_element_type3A = arith.extui %gt3A_63 : i1 to i32
      %cond3A = arith.constant 0 : i32
      %cond3A_64 = arith.cmpi ne, %convert_element_type3A, %cond3A : i32
      scf.if %cond3A_64 {
        %dma_wait3A_154 = arith.constant 1 : i32
        %dma_wait3A_155 = arith.constant 0 : i32
        %dma_wait3A_156 = tpu.memref_slice %arg8[%dma_wait3A_154, %dma_wait3A_155] : memref<2x64xi32, #tpu.memory_space<vmem>> -> memref<1x64xi32, #tpu.memory_space<vmem>>
        %dma_wait3A_157 = tpu.memref_squeeze %dma_wait3A_156 : memref<1x64xi32, #tpu.memory_space<vmem>> -> memref<64xi32, #tpu.memory_space<vmem>>
        %dma_wait3A_158 = arith.constant 0 : i32
        %dma_wait3A_159 = arith.constant 0 : i32
        %dma_wait3A_160 = tpu.memref_slice %arg13[%dma_wait3A_158, %dma_wait3A_159] : memref<10112x128xf32, #tpu.memory_space<vmem_shared>> -> memref<10112x128xf32, #tpu.memory_space<vmem_shared>>
        tpu.wait_indirect_dma semaphore(%arg19 : memref<!tpu.dma_semaphore, #tpu.memory_space<semaphore_mem>>) src(%arg12 : memref<64x128xf32, #tpu.memory_space<vmem>>) dst(%dma_wait3A_160 : memref<10112x128xf32, #tpu.memory_space<vmem_shared>>)
      } else {
      }
      %mul3A_65 = arith.constant 2 : i32
      %mul3A_66 = arith.muli %mul3A_65, %while3A_62 : i32
      %add3A_67 = arith.constant 1 : i32
      %add3A_68 = arith.addi %mul3A_66, %add3A_67 : i32
      %add3A_69 = arith.addi %select_n3A, %add3A_68 : i32
      "tpu.region"() ({
        %run_scoped3A = tpu.sem_alloc : memref<!tpu.dma_semaphore, #tpu.memory_space<semaphore_mem>>
        %dma_start3A_154 = arith.constant 0 : i32
        %dma_start3A_155 = arith.constant 0 : i32
        %dma_start3A_156 = tpu.memref_slice %arg3[%add3A_69, %dma_start3A_154, %dma_start3A_155] : memref<5024x2x64xi32, #tpu.memory_space<hbm>> -> memref<1x2x64xi32, #tpu.memory_space<hbm>>
        %dma_start3A_157 = tpu.memref_squeeze %dma_start3A_156 : memref<1x2x64xi32, #tpu.memory_space<hbm>> -> memref<2x64xi32, #tpu.memory_space<hbm>>
        %dma_start3A_158 = arith.constant 0 : i32
        %dma_start3A_159 = arith.constant 0 : i32
        %dma_start3A_160 = tpu.memref_slice %arg3[%add3A_69, %dma_start3A_158, %dma_start3A_159] : memref<5024x2x64xi32, #tpu.memory_space<hbm>> -> memref<1x2x64xi32, #tpu.memory_space<hbm>>
        %dma_start3A_161 = tpu.memref_squeeze %dma_start3A_160 : memref<1x2x64xi32, #tpu.memory_space<hbm>> -> memref<2x64xi32, #tpu.memory_space<hbm>>
        tpu.enqueue_dma source(%dma_start3A_161 : memref<2x64xi32, #tpu.memory_space<hbm>>) target(%arg8 : memref<2x64xi32, #tpu.memory_space<vmem>>) target_semaphore(%run_scoped3A : memref<!tpu.dma_semaphore, #tpu.memory_space<semaphore_mem>>)
        %dma_wait3A_162 = arith.constant 0 : i32
        %dma_wait3A_163 = arith.constant 0 : i32
        %dma_wait3A_164 = tpu.memref_slice %arg3[%add3A_69, %dma_wait3A_162, %dma_wait3A_163] : memref<5024x2x64xi32, #tpu.memory_space<hbm>> -> memref<1x2x64xi32, #tpu.memory_space<hbm>>
        %dma_wait3A_165 = tpu.memref_squeeze %dma_wait3A_164 : memref<1x2x64xi32, #tpu.memory_space<hbm>> -> memref<2x64xi32, #tpu.memory_space<hbm>>
        %dma_wait3A_166 = arith.constant 0 : i32
        %dma_wait3A_167 = arith.constant 0 : i32
        %dma_wait3A_168 = tpu.memref_slice %arg3[%add3A_69, %dma_wait3A_166, %dma_wait3A_167] : memref<5024x2x64xi32, #tpu.memory_space<hbm>> -> memref<1x2x64xi32, #tpu.memory_space<hbm>>
        %dma_wait3A_169 = tpu.memref_squeeze %dma_wait3A_168 : memref<1x2x64xi32, #tpu.memory_space<hbm>> -> memref<2x64xi32, #tpu.memory_space<hbm>>
        tpu.wait_dma2 semaphore(%run_scoped3A : memref<!tpu.dma_semaphore, #tpu.memory_space<semaphore_mem>>) src(%dma_wait3A_169 : memref<2x64xi32, #tpu.memory_space<hbm>>) dst(%arg8 : memref<2x64xi32, #tpu.memory_space<vmem>>)
        tpu.yield
      }) : () -> ()
      %mul3A_70 = arith.constant 64 : i32
      %mul3A_71 = arith.muli %add3A_69, %mul3A_70 : i32
      %dma_start3A_72 = arith.constant 0 : i32
      %dma_start3A_73 = tpu.memref_slice %arg4[%mul3A_71, %dma_start3A_72] : memref<321536x128xf32, #tpu.memory_space<hbm>> -> memref<64x128xf32, #tpu.memory_space<hbm>>
      %dma_start3A_74 = arith.constant 0 : i32
      %dma_start3A_75 = tpu.memref_slice %arg4[%mul3A_71, %dma_start3A_74] : memref<321536x128xf32, #tpu.memory_space<hbm>> -> memref<64x128xf32, #tpu.memory_space<hbm>>
      tpu.enqueue_dma source(%dma_start3A_75 : memref<64x128xf32, #tpu.memory_space<hbm>>) target(%arg10 : memref<64x128xf32, #tpu.memory_space<vmem>>) target_semaphore(%arg17 : memref<!tpu.dma_semaphore, #tpu.memory_space<semaphore_mem>>)
      %dma_start3A_76 = arith.constant 0 : i32
      %dma_start3A_77 = arith.constant 0 : i32
      %dma_start3A_78 = tpu.memref_slice %arg8[%dma_start3A_76, %dma_start3A_77] : memref<2x64xi32, #tpu.memory_space<vmem>> -> memref<1x64xi32, #tpu.memory_space<vmem>>
      %dma_start3A_79 = tpu.memref_squeeze %dma_start3A_78 : memref<1x64xi32, #tpu.memory_space<vmem>> -> memref<64xi32, #tpu.memory_space<vmem>>
      %dma_start3A_80 = arith.constant 0 : i32
      %dma_start3A_81 = arith.constant 0 : i32
      %dma_start3A_82 = tpu.memref_slice %arg2[%dma_start3A_80, %dma_start3A_81] : memref<10000x128xf32, #tpu.memory_space<hbm>> -> memref<10000x128xf32, #tpu.memory_space<hbm>>
      tpu.enqueue_indirect_dma source(%dma_start3A_82 : memref<10000x128xf32, #tpu.memory_space<hbm>>) target(%arg12 : memref<64x128xf32, #tpu.memory_space<vmem>>) offsets(%dma_start3A_79 : memref<64xi32, #tpu.memory_space<vmem>>) semaphore(%arg15 : memref<!tpu.dma_semaphore, #tpu.memory_space<semaphore_mem>>)
      %mul3A_83 = arith.constant 2 : i32
      %mul3A_84 = arith.muli %mul3A_83, %while3A_62 : i32
      %add3A_85 = arith.addi %select_n3A, %mul3A_84 : i32
      %mul3A_86 = arith.constant 64 : i32
      %mul3A_87 = arith.muli %add3A_85, %mul3A_86 : i32
      %dma_wait3A_88 = arith.constant 0 : i32
      %dma_wait3A_89 = tpu.memref_slice %arg4[%mul3A_87, %dma_wait3A_88] : memref<321536x128xf32, #tpu.memory_space<hbm>> -> memref<64x128xf32, #tpu.memory_space<hbm>>
      %dma_wait3A_90 = arith.constant 0 : i32
      %dma_wait3A_91 = tpu.memref_slice %arg4[%mul3A_87, %dma_wait3A_90] : memref<321536x128xf32, #tpu.memory_space<hbm>> -> memref<64x128xf32, #tpu.memory_space<hbm>>
      tpu.wait_dma2 semaphore(%arg16 : memref<!tpu.dma_semaphore, #tpu.memory_space<semaphore_mem>>) src(%dma_wait3A_91 : memref<64x128xf32, #tpu.memory_space<hbm>>) dst(%arg9 : memref<64x128xf32, #tpu.memory_space<vmem>>)
      %dma_wait3A_92 = arith.constant 0 : i32
      %dma_wait3A_93 = arith.constant 0 : i32
      %dma_wait3A_94 = tpu.memref_slice %arg7[%dma_wait3A_92, %dma_wait3A_93] : memref<2x64xi32, #tpu.memory_space<vmem>> -> memref<1x64xi32, #tpu.memory_space<vmem>>
      %dma_wait3A_95 = tpu.memref_squeeze %dma_wait3A_94 : memref<1x64xi32, #tpu.memory_space<vmem>> -> memref<64xi32, #tpu.memory_space<vmem>>
      %dma_wait3A_96 = arith.constant 0 : i32
      %dma_wait3A_97 = arith.constant 0 : i32
      %dma_wait3A_98 = tpu.memref_slice %arg2[%dma_wait3A_96, %dma_wait3A_97] : memref<10000x128xf32, #tpu.memory_space<hbm>> -> memref<10000x128xf32, #tpu.memory_space<hbm>>
      tpu.wait_indirect_dma semaphore(%arg14 : memref<!tpu.dma_semaphore, #tpu.memory_space<semaphore_mem>>) src(%dma_wait3A_98 : memref<10000x128xf32, #tpu.memory_space<hbm>>) dst(%arg11 : memref<64x128xf32, #tpu.memory_space<vmem>>)
      %scan3A = arith.constant 0 : i32
      %scan3A_99 = arith.constant 0 : i32
      %scan3A_100 = arith.constant 64 : i32
      %scan3A_101 = arith.addi %scan3A_99, %scan3A_100 : i32
      %scan3A_102 = arith.constant 1 : i32
      scf.for %scan3A_154 = %scan3A_99 to %scan3A_101 step %scan3A_102  : i32 {
        %get3A = arith.index_cast %scan3A_154 : i32 to index
        %get3A_155 = arith.constant 0 : index
        %get3A_156 = tpu.vector_load %arg11[%get3A, %get3A_155] {strides = array<i32>} : memref<64x128xf32, #tpu.memory_space<vmem>>, vector<1x16xf32>,
        %get3A_157 = vector.shape_cast %get3A_156 : vector<1x16xf32> to vector<16xf32>
        %get3A_158 = arith.index_cast %scan3A_154 : i32 to index
        %get3A_159 = arith.constant 0 : index
        %get3A_160 = tpu.vector_load %arg9[%get3A_158, %get3A_159] {strides = array<i32>} : memref<64x128xf32, #tpu.memory_space<vmem>>, vector<1x16xf32>,
        %get3A_161 = vector.shape_cast %get3A_160 : vector<1x16xf32> to vector<16xf32>
        %mul3A_162 = arith.mulf %get3A_157, %get3A_161 : vector<16xf32>
        %swap3A = arith.index_cast %scan3A_154 : i32 to index
        %swap3A_163 = arith.constant 0 : index
        %swap3A_164 = tpu.vector_load %arg11[%swap3A, %swap3A_163] {strides = array<i32>} : memref<64x128xf32, #tpu.memory_space<vmem>>, vector<1x16xf32>,
        %swap3A_165 = vector.shape_cast %swap3A_164 : vector<1x16xf32> to vector<16xf32>
        %swap3A_166 = vector.shape_cast %mul3A_162 : vector<16xf32> to vector<1x16xf32>
        tpu.vector_store %arg11[%swap3A, %swap3A_163], %swap3A_166 {strides = array<i32>} : memref<64x128xf32, #tpu.memory_space<vmem>>, vector<1x16xf32>,
        %get3A_167 = arith.index_cast %scan3A_154 : i32 to index
        %get3A_168 = arith.constant 16 : index
        %get3A_169 = tpu.vector_load %arg11[%get3A_167, %get3A_168] {strides = array<i32>} : memref<64x128xf32, #tpu.memory_space<vmem>>, vector<1x16xf32>,
        %get3A_170 = vector.shape_cast %get3A_169 : vector<1x16xf32> to vector<16xf32>
        %get3A_171 = arith.index_cast %scan3A_154 : i32 to index
        %get3A_172 = arith.constant 16 : index
        %get3A_173 = tpu.vector_load %arg9[%get3A_171, %get3A_172] {strides = array<i32>} : memref<64x128xf32, #tpu.memory_space<vmem>>, vector<1x16xf32>,
        %get3A_174 = vector.shape_cast %get3A_173 : vector<1x16xf32> to vector<16xf32>
        %mul3A_175 = arith.mulf %get3A_170, %get3A_174 : vector<16xf32>
        %swap3A_176 = arith.index_cast %scan3A_154 : i32 to index
        %swap3A_177 = arith.constant 16 : index
        %swap3A_178 = tpu.vector_load %arg11[%swap3A_176, %swap3A_177] {strides = array<i32>} : memref<64x128xf32, #tpu.memory_space<vmem>>, vector<1x16xf32>,
        %swap3A_179 = vector.shape_cast %swap3A_178 : vector<1x16xf32> to vector<16xf32>
        %swap3A_180 = vector.shape_cast %mul3A_175 : vector<16xf32> to vector<1x16xf32>
        tpu.vector_store %arg11[%swap3A_176, %swap3A_177], %swap3A_180 {strides = array<i32>} : memref<64x128xf32, #tpu.memory_space<vmem>>, vector<1x16xf32>,
        %get3A_181 = arith.index_cast %scan3A_154 : i32 to index
        %get3A_182 = arith.constant 32 : index
        %get3A_183 = tpu.vector_load %arg11[%get3A_181, %get3A_182] {strides = array<i32>} : memref<64x128xf32, #tpu.memory_space<vmem>>, vector<1x16xf32>,
        %get3A_184 = vector.shape_cast %get3A_183 : vector<1x16xf32> to vector<16xf32>
        %get3A_185 = arith.index_cast %scan3A_154 : i32 to index
        %get3A_186 = arith.constant 32 : index
        %get3A_187 = tpu.vector_load %arg9[%get3A_185, %get3A_186] {strides = array<i32>} : memref<64x128xf32, #tpu.memory_space<vmem>>, vector<1x16xf32>,
        %get3A_188 = vector.shape_cast %get3A_187 : vector<1x16xf32> to vector<16xf32>
        %mul3A_189 = arith.mulf %get3A_184, %get3A_188 : vector<16xf32>
        %swap3A_190 = arith.index_cast %scan3A_154 : i32 to index
        %swap3A_191 = arith.constant 32 : index
        %swap3A_192 = tpu.vector_load %arg11[%swap3A_190, %swap3A_191] {strides = array<i32>} : memref<64x128xf32, #tpu.memory_space<vmem>>, vector<1x16xf32>,
        %swap3A_193 = vector.shape_cast %swap3A_192 : vector<1x16xf32> to vector<16xf32>
        %swap3A_194 = vector.shape_cast %mul3A_189 : vector<16xf32> to vector<1x16xf32>
        tpu.vector_store %arg11[%swap3A_190, %swap3A_191], %swap3A_194 {strides = array<i32>} : memref<64x128xf32, #tpu.memory_space<vmem>>, vector<1x16xf32>,
        %get3A_195 = arith.index_cast %scan3A_154 : i32 to index
        %get3A_196 = arith.constant 48 : index
        %get3A_197 = tpu.vector_load %arg11[%get3A_195, %get3A_196] {strides = array<i32>} : memref<64x128xf32, #tpu.memory_space<vmem>>, vector<1x16xf32>,
        %get3A_198 = vector.shape_cast %get3A_197 : vector<1x16xf32> to vector<16xf32>
        %get3A_199 = arith.index_cast %scan3A_154 : i32 to index
        %get3A_200 = arith.constant 48 : index
        %get3A_201 = tpu.vector_load %arg9[%get3A_199, %get3A_200] {strides = array<i32>} : memref<64x128xf32, #tpu.memory_space<vmem>>, vector<1x16xf32>,
        %get3A_202 = vector.shape_cast %get3A_201 : vector<1x16xf32> to vector<16xf32>
        %mul3A_203 = arith.mulf %get3A_198, %get3A_202 : vector<16xf32>
        %swap3A_204 = arith.index_cast %scan3A_154 : i32 to index
        %swap3A_205 = arith.constant 48 : index
        %swap3A_206 = tpu.vector_load %arg11[%swap3A_204, %swap3A_205] {strides = array<i32>} : memref<64x128xf32, #tpu.memory_space<vmem>>, vector<1x16xf32>,
        %swap3A_207 = vector.shape_cast %swap3A_206 : vector<1x16xf32> to vector<16xf32>
        %swap3A_208 = vector.shape_cast %mul3A_203 : vector<16xf32> to vector<1x16xf32>
        tpu.vector_store %arg11[%swap3A_204, %swap3A_205], %swap3A_208 {strides = array<i32>} : memref<64x128xf32, #tpu.memory_space<vmem>>, vector<1x16xf32>,
        %get3A_209 = arith.index_cast %scan3A_154 : i32 to index
        %get3A_210 = arith.constant 64 : index
        %get3A_211 = tpu.vector_load %arg11[%get3A_209, %get3A_210] {strides = array<i32>} : memref<64x128xf32, #tpu.memory_space<vmem>>, vector<1x16xf32>,
        %get3A_212 = vector.shape_cast %get3A_211 : vector<1x16xf32> to vector<16xf32>
        %get3A_213 = arith.index_cast %scan3A_154 : i32 to index
        %get3A_214 = arith.constant 64 : index
        %get3A_215 = tpu.vector_load %arg9[%get3A_213, %get3A_214] {strides = array<i32>} : memref<64x128xf32, #tpu.memory_space<vmem>>, vector<1x16xf32>,
        %get3A_216 = vector.shape_cast %get3A_215 : vector<1x16xf32> to vector<16xf32>
        %mul3A_217 = arith.mulf %get3A_212, %get3A_216 : vector<16xf32>
        %swap3A_218 = arith.index_cast %scan3A_154 : i32 to index
        %swap3A_219 = arith.constant 64 : index
        %swap3A_220 = tpu.vector_load %arg11[%swap3A_218, %swap3A_219] {strides = array<i32>} : memref<64x128xf32, #tpu.memory_space<vmem>>, vector<1x16xf32>,
        %swap3A_221 = vector.shape_cast %swap3A_220 : vector<1x16xf32> to vector<16xf32>
        %swap3A_222 = vector.shape_cast %mul3A_217 : vector<16xf32> to vector<1x16xf32>
        tpu.vector_store %arg11[%swap3A_218, %swap3A_219], %swap3A_222 {strides = array<i32>} : memref<64x128xf32, #tpu.memory_space<vmem>>, vector<1x16xf32>,
        %get3A_223 = arith.index_cast %scan3A_154 : i32 to index
        %get3A_224 = arith.constant 80 : index
        %get3A_225 = tpu.vector_load %arg11[%get3A_223, %get3A_224] {strides = array<i32>} : memref<64x128xf32, #tpu.memory_space<vmem>>, vector<1x16xf32>,
        %get3A_226 = vector.shape_cast %get3A_225 : vector<1x16xf32> to vector<16xf32>
        %get3A_227 = arith.index_cast %scan3A_154 : i32 to index
        %get3A_228 = arith.constant 80 : index
        %get3A_229 = tpu.vector_load %arg9[%get3A_227, %get3A_228] {strides = array<i32>} : memref<64x128xf32, #tpu.memory_space<vmem>>, vector<1x16xf32>,
        %get3A_230 = vector.shape_cast %get3A_229 : vector<1x16xf32> to vector<16xf32>
        %mul3A_231 = arith.mulf %get3A_226, %get3A_230 : vector<16xf32>
        %swap3A_232 = arith.index_cast %scan3A_154 : i32 to index
        %swap3A_233 = arith.constant 80 : index
        %swap3A_234 = tpu.vector_load %arg11[%swap3A_232, %swap3A_233] {strides = array<i32>} : memref<64x128xf32, #tpu.memory_space<vmem>>, vector<1x16xf32>,
        %swap3A_235 = vector.shape_cast %swap3A_234 : vector<1x16xf32> to vector<16xf32>
        %swap3A_236 = vector.shape_cast %mul3A_231 : vector<16xf32> to vector<1x16xf32>
        tpu.vector_store %arg11[%swap3A_232, %swap3A_233], %swap3A_236 {strides = array<i32>} : memref<64x128xf32, #tpu.memory_space<vmem>>, vector<1x16xf32>,
        %get3A_237 = arith.index_cast %scan3A_154 : i32 to index
        %get3A_238 = arith.constant 96 : index
        %get3A_239 = tpu.vector_load %arg11[%get3A_237, %get3A_238] {strides = array<i32>} : memref<64x128xf32, #tpu.memory_space<vmem>>, vector<1x16xf32>,
        %get3A_240 = vector.shape_cast %get3A_239 : vector<1x16xf32> to vector<16xf32>
        %get3A_241 = arith.index_cast %scan3A_154 : i32 to index
        %get3A_242 = arith.constant 96 : index
        %get3A_243 = tpu.vector_load %arg9[%get3A_241, %get3A_242] {strides = array<i32>} : memref<64x128xf32, #tpu.memory_space<vmem>>, vector<1x16xf32>,
        %get3A_244 = vector.shape_cast %get3A_243 : vector<1x16xf32> to vector<16xf32>
        %mul3A_245 = arith.mulf %get3A_240, %get3A_244 : vector<16xf32>
        %swap3A_246 = arith.index_cast %scan3A_154 : i32 to index
        %swap3A_247 = arith.constant 96 : index
        %swap3A_248 = tpu.vector_load %arg11[%swap3A_246, %swap3A_247] {strides = array<i32>} : memref<64x128xf32, #tpu.memory_space<vmem>>, vector<1x16xf32>,
        %swap3A_249 = vector.shape_cast %swap3A_248 : vector<1x16xf32> to vector<16xf32>
        %swap3A_250 = vector.shape_cast %mul3A_245 : vector<16xf32> to vector<1x16xf32>
        tpu.vector_store %arg11[%swap3A_246, %swap3A_247], %swap3A_250 {strides = array<i32>} : memref<64x128xf32, #tpu.memory_space<vmem>>, vector<1x16xf32>,
        %get3A_251 = arith.index_cast %scan3A_154 : i32 to index
        %get3A_252 = arith.constant 112 : index
        %get3A_253 = tpu.vector_load %arg11[%get3A_251, %get3A_252] {strides = array<i32>} : memref<64x128xf32, #tpu.memory_space<vmem>>, vector<1x16xf32>,
        %get3A_254 = vector.shape_cast %get3A_253 : vector<1x16xf32> to vector<16xf32>
        %get3A_255 = arith.index_cast %scan3A_154 : i32 to index
        %get3A_256 = arith.constant 112 : index
        %get3A_257 = tpu.vector_load %arg9[%get3A_255, %get3A_256] {strides = array<i32>} : memref<64x128xf32, #tpu.memory_space<vmem>>, vector<1x16xf32>,
        %get3A_258 = vector.shape_cast %get3A_257 : vector<1x16xf32> to vector<16xf32>
        %mul3A_259 = arith.mulf %get3A_254, %get3A_258 : vector<16xf32>
        %swap3A_260 = arith.index_cast %scan3A_154 : i32 to index
        %swap3A_261 = arith.constant 112 : index
        %swap3A_262 = tpu.vector_load %arg11[%swap3A_260, %swap3A_261] {strides = array<i32>} : memref<64x128xf32, #tpu.memory_space<vmem>>, vector<1x16xf32>,
        %swap3A_263 = vector.shape_cast %swap3A_262 : vector<1x16xf32> to vector<16xf32>
        %swap3A_264 = vector.shape_cast %mul3A_259 : vector<16xf32> to vector<1x16xf32>
        tpu.vector_store %arg11[%swap3A_260, %swap3A_261], %swap3A_264 {strides = array<i32>} : memref<64x128xf32, #tpu.memory_space<vmem>>, vector<1x16xf32>,
      }
      %scan3A_103 = arith.constant 64 : i32
      %dma_start3A_104 = arith.constant 1 : i32
      %dma_start3A_105 = arith.constant 0 : i32
      %dma_start3A_106 = tpu.memref_slice %arg7[%dma_start3A_104, %dma_start3A_105] : memref<2x64xi32, #tpu.memory_space<vmem>> -> memref<1x64xi32, #tpu.memory_space<vmem>>
      %dma_start3A_107 = tpu.memref_squeeze %dma_start3A_106 : memref<1x64xi32, #tpu.memory_space<vmem>> -> memref<64xi32, #tpu.memory_space<vmem>>
      %dma_start3A_108 = arith.constant 0 : i32
      %dma_start3A_109 = arith.constant 0 : i32
      %dma_start3A_110 = tpu.memref_slice %arg13[%dma_start3A_108, %dma_start3A_109] : memref<10112x128xf32, #tpu.memory_space<vmem_shared>> -> memref<10112x128xf32, #tpu.memory_space<vmem_shared>>
      tpu.enqueue_indirect_dma source(%arg11 : memref<64x128xf32, #tpu.memory_space<vmem>>) target(%dma_start3A_110 : memref<10112x128xf32, #tpu.memory_space<vmem_shared>>) offsets(%dma_start3A_107 : memref<64xi32, #tpu.memory_space<vmem>>) semaphore(%arg18 : memref<!tpu.dma_semaphore, #tpu.memory_space<semaphore_mem>>) {add = true}
      %dma_wait3A_111 = arith.constant 1 : i32
      %dma_wait3A_112 = arith.constant 0 : i32
      %dma_wait3A_113 = tpu.memref_slice %arg7[%dma_wait3A_111, %dma_wait3A_112] : memref<2x64xi32, #tpu.memory_space<vmem>> -> memref<1x64xi32, #tpu.memory_space<vmem>>
      %dma_wait3A_114 = tpu.memref_squeeze %dma_wait3A_113 : memref<1x64xi32, #tpu.memory_space<vmem>> -> memref<64xi32, #tpu.memory_space<vmem>>
      %dma_wait3A_115 = arith.constant 0 : i32
      %dma_wait3A_116 = arith.constant 0 : i32
      %dma_wait3A_117 = tpu.memref_slice %arg13[%dma_wait3A_115, %dma_wait3A_116] : memref<10112x128xf32, #tpu.memory_space<vmem_shared>> -> memref<10112x128xf32, #tpu.memory_space<vmem_shared>>
      tpu.wait_indirect_dma semaphore(%arg18 : memref<!tpu.dma_semaphore, #tpu.memory_space<semaphore_mem>>) src(%arg11 : memref<64x128xf32, #tpu.memory_space<vmem>>) dst(%dma_wait3A_117 : memref<10112x128xf32, #tpu.memory_space<vmem_shared>>)
      %sub3A_118 = arith.constant 1 : i32
      %sub3A_119 = arith.subi %select_n3A_28, %sub3A_118 : i32
      %lt3A = arith.cmpi slt, %while3A_62, %sub3A_119 : i32
      %convert_element_type3A_120 = arith.extui %lt3A : i1 to i32
      %cond3A_121 = arith.constant 0 : i32
      %cond3A_122 = arith.cmpi ne, %convert_element_type3A_120, %cond3A_121 : i32
      scf.if %cond3A_122 {
        %mul3A_154 = arith.constant 2 : i32
        %mul3A_155 = arith.muli %mul3A_154, %while3A_62 : i32
        %add3A_156 = arith.constant 2 : i32
        %add3A_157 = arith.addi %mul3A_155, %add3A_156 : i32
        %add3A_158 = arith.addi %select_n3A, %add3A_157 : i32
        "tpu.region"() ({
          %run_scoped3A = tpu.sem_alloc : memref<!tpu.dma_semaphore, #tpu.memory_space<semaphore_mem>>
          %dma_start3A_172 = arith.constant 0 : i32
          %dma_start3A_173 = arith.constant 0 : i32
          %dma_start3A_174 = tpu.memref_slice %arg3[%add3A_158, %dma_start3A_172, %dma_start3A_173] : memref<5024x2x64xi32, #tpu.memory_space<hbm>> -> memref<1x2x64xi32, #tpu.memory_space<hbm>>
          %dma_start3A_175 = tpu.memref_squeeze %dma_start3A_174 : memref<1x2x64xi32, #tpu.memory_space<hbm>> -> memref<2x64xi32, #tpu.memory_space<hbm>>
          %dma_start3A_176 = arith.constant 0 : i32
          %dma_start3A_177 = arith.constant 0 : i32
          %dma_start3A_178 = tpu.memref_slice %arg3[%add3A_158, %dma_start3A_176, %dma_start3A_177] : memref<5024x2x64xi32, #tpu.memory_space<hbm>> -> memref<1x2x64xi32, #tpu.memory_space<hbm>>
          %dma_start3A_179 = tpu.memref_squeeze %dma_start3A_178 : memref<1x2x64xi32, #tpu.memory_space<hbm>> -> memref<2x64xi32, #tpu.memory_space<hbm>>
          tpu.enqueue_dma source(%dma_start3A_179 : memref<2x64xi32, #tpu.memory_space<hbm>>) target(%arg7 : memref<2x64xi32, #tpu.memory_space<vmem>>) target_semaphore(%run_scoped3A : memref<!tpu.dma_semaphore, #tpu.memory_space<semaphore_mem>>)
          %dma_wait3A_180 = arith.constant 0 : i32
          %dma_wait3A_181 = arith.constant 0 : i32
          %dma_wait3A_182 = tpu.memref_slice %arg3[%add3A_158, %dma_wait3A_180, %dma_wait3A_181] : memref<5024x2x64xi32, #tpu.memory_space<hbm>> -> memref<1x2x64xi32, #tpu.memory_space<hbm>>
          %dma_wait3A_183 = tpu.memref_squeeze %dma_wait3A_182 : memref<1x2x64xi32, #tpu.memory_space<hbm>> -> memref<2x64xi32, #tpu.memory_space<hbm>>
          %dma_wait3A_184 = arith.constant 0 : i32
          %dma_wait3A_185 = arith.constant 0 : i32
          %dma_wait3A_186 = tpu.memref_slice %arg3[%add3A_158, %dma_wait3A_184, %dma_wait3A_185] : memref<5024x2x64xi32, #tpu.memory_space<hbm>> -> memref<1x2x64xi32, #tpu.memory_space<hbm>>
          %dma_wait3A_187 = tpu.memref_squeeze %dma_wait3A_186 : memref<1x2x64xi32, #tpu.memory_space<hbm>> -> memref<2x64xi32, #tpu.memory_space<hbm>>
          tpu.wait_dma2 semaphore(%run_scoped3A : memref<!tpu.dma_semaphore, #tpu.memory_space<semaphore_mem>>) src(%dma_wait3A_187 : memref<2x64xi32, #tpu.memory_space<hbm>>) dst(%arg7 : memref<2x64xi32, #tpu.memory_space<vmem>>)
          tpu.yield
        }) : () -> ()
        %mul3A_159 = arith.constant 64 : i32
        %mul3A_160 = arith.muli %add3A_158, %mul3A_159 : i32
        %dma_start3A_161 = arith.constant 0 : i32
        %dma_start3A_162 = tpu.memref_slice %arg4[%mul3A_160, %dma_start3A_161] : memref<321536x128xf32, #tpu.memory_space<hbm>> -> memref<64x128xf32, #tpu.memory_space<hbm>>
        %dma_start3A_163 = arith.constant 0 : i32
        %dma_start3A_164 = tpu.memref_slice %arg4[%mul3A_160, %dma_start3A_163] : memref<321536x128xf32, #tpu.memory_space<hbm>> -> memref<64x128xf32, #tpu.memory_space<hbm>>
        tpu.enqueue_dma source(%dma_start3A_164 : memref<64x128xf32, #tpu.memory_space<hbm>>) target(%arg9 : memref<64x128xf32, #tpu.memory_space<vmem>>) target_semaphore(%arg16 : memref<!tpu.dma_semaphore, #tpu.memory_space<semaphore_mem>>)
        %dma_start3A_165 = arith.constant 0 : i32
        %dma_start3A_166 = arith.constant 0 : i32
        %dma_start3A_167 = tpu.memref_slice %arg7[%dma_start3A_165, %dma_start3A_166] : memref<2x64xi32, #tpu.memory_space<vmem>> -> memref<1x64xi32, #tpu.memory_space<vmem>>
        %dma_start3A_168 = tpu.memref_squeeze %dma_start3A_167 : memref<1x64xi32, #tpu.memory_space<vmem>> -> memref<64xi32, #tpu.memory_space<vmem>>
        %dma_start3A_169 = arith.constant 0 : i32
        %dma_start3A_170 = arith.constant 0 : i32
        %dma_start3A_171 = tpu.memref_slice %arg2[%dma_start3A_169, %dma_start3A_170] : memref<10000x128xf32, #tpu.memory_space<hbm>> -> memref<10000x128xf32, #tpu.memory_space<hbm>>
        tpu.enqueue_indirect_dma source(%dma_start3A_171 : memref<10000x128xf32, #tpu.memory_space<hbm>>) target(%arg11 : memref<64x128xf32, #tpu.memory_space<vmem>>) offsets(%dma_start3A_168 : memref<64xi32, #tpu.memory_space<vmem>>) semaphore(%arg14 : memref<!tpu.dma_semaphore, #tpu.memory_space<semaphore_mem>>)
      } else {
      }
      %mul3A_123 = arith.constant 2 : i32
      %mul3A_124 = arith.muli %mul3A_123, %while3A_62 : i32
      %add3A_125 = arith.constant 1 : i32
      %add3A_126 = arith.addi %mul3A_124, %add3A_125 : i32
      %add3A_127 = arith.addi %select_n3A, %add3A_126 : i32
      %mul3A_128 = arith.constant 64 : i32
      %mul3A_129 = arith.muli %add3A_127, %mul3A_128 : i32
      %dma_wait3A_130 = arith.constant 0 : i32
      %dma_wait3A_131 = tpu.memref_slice %arg4[%mul3A_129, %dma_wait3A_130] : memref<321536x128xf32, #tpu.memory_space<hbm>> -> memref<64x128xf32, #tpu.memory_space<hbm>>
      %dma_wait3A_132 = arith.constant 0 : i32
      %dma_wait3A_133 = tpu.memref_slice %arg4[%mul3A_129, %dma_wait3A_132] : memref<321536x128xf32, #tpu.memory_space<hbm>> -> memref<64x128xf32, #tpu.memory_space<hbm>>
      tpu.wait_dma2 semaphore(%arg17 : memref<!tpu.dma_semaphore, #tpu.memory_space<semaphore_mem>>) src(%dma_wait3A_133 : memref<64x128xf32, #tpu.memory_space<hbm>>) dst(%arg10 : memref<64x128xf32, #tpu.memory_space<vmem>>)
      %dma_wait3A_134 = arith.constant 0 : i32
      %dma_wait3A_135 = arith.constant 0 : i32
      %dma_wait3A_136 = tpu.memref_slice %arg8[%dma_wait3A_134, %dma_wait3A_135] : memref<2x64xi32, #tpu.memory_space<vmem>> -> memref<1x64xi32, #tpu.memory_space<vmem>>
      %dma_wait3A_137 = tpu.memref_squeeze %dma_wait3A_136 : memref<1x64xi32, #tpu.memory_space<vmem>> -> memref<64xi32, #tpu.memory_space<vmem>>
      %dma_wait3A_138 = arith.constant 0 : i32
      %dma_wait3A_139 = arith.constant 0 : i32
      %dma_wait3A_140 = tpu.memref_slice %arg2[%dma_wait3A_138, %dma_wait3A_139] : memref<10000x128xf32, #tpu.memory_space<hbm>> -> memref<10000x128xf32, #tpu.memory_space<hbm>>
      tpu.wait_indirect_dma semaphore(%arg15 : memref<!tpu.dma_semaphore, #tpu.memory_space<semaphore_mem>>) src(%dma_wait3A_140 : memref<10000x128xf32, #tpu.memory_space<hbm>>) dst(%arg12 : memref<64x128xf32, #tpu.memory_space<vmem>>)
      %scan3A_141 = arith.constant 0 : i32
      %scan3A_142 = arith.constant 0 : i32
      %scan3A_143 = arith.constant 64 : i32
      %scan3A_144 = arith.addi %scan3A_142, %scan3A_143 : i32
      %scan3A_145 = arith.constant 1 : i32
      scf.for %scan3A_154 = %scan3A_142 to %scan3A_144 step %scan3A_145  : i32 {
        %get3A = arith.index_cast %scan3A_154 : i32 to index
        %get3A_155 = arith.constant 0 : index
        %get3A_156 = tpu.vector_load %arg12[%get3A, %get3A_155] {strides = array<i32>} : memref<64x128xf32, #tpu.memory_space<vmem>>, vector<1x16xf32>,
        %get3A_157 = vector.shape_cast %get3A_156 : vector<1x16xf32> to vector<16xf32>
        %get3A_158 = arith.index_cast %scan3A_154 : i32 to index
        %get3A_159 = arith.constant 0 : index
        %get3A_160 = tpu.vector_load %arg10[%get3A_158, %get3A_159] {strides = array<i32>} : memref<64x128xf32, #tpu.memory_space<vmem>>, vector<1x16xf32>,
        %get3A_161 = vector.shape_cast %get3A_160 : vector<1x16xf32> to vector<16xf32>
        %mul3A_162 = arith.mulf %get3A_157, %get3A_161 : vector<16xf32>
        %swap3A = arith.index_cast %scan3A_154 : i32 to index
        %swap3A_163 = arith.constant 0 : index
        %swap3A_164 = tpu.vector_load %arg12[%swap3A, %swap3A_163] {strides = array<i32>} : memref<64x128xf32, #tpu.memory_space<vmem>>, vector<1x16xf32>,
        %swap3A_165 = vector.shape_cast %swap3A_164 : vector<1x16xf32> to vector<16xf32>
        %swap3A_166 = vector.shape_cast %mul3A_162 : vector<16xf32> to vector<1x16xf32>
        tpu.vector_store %arg12[%swap3A, %swap3A_163], %swap3A_166 {strides = array<i32>} : memref<64x128xf32, #tpu.memory_space<vmem>>, vector<1x16xf32>,
        %get3A_167 = arith.index_cast %scan3A_154 : i32 to index
        %get3A_168 = arith.constant 16 : index
        %get3A_169 = tpu.vector_load %arg12[%get3A_167, %get3A_168] {strides = array<i32>} : memref<64x128xf32, #tpu.memory_space<vmem>>, vector<1x16xf32>,
        %get3A_170 = vector.shape_cast %get3A_169 : vector<1x16xf32> to vector<16xf32>
        %get3A_171 = arith.index_cast %scan3A_154 : i32 to index
        %get3A_172 = arith.constant 16 : index
        %get3A_173 = tpu.vector_load %arg10[%get3A_171, %get3A_172] {strides = array<i32>} : memref<64x128xf32, #tpu.memory_space<vmem>>, vector<1x16xf32>,
        %get3A_174 = vector.shape_cast %get3A_173 : vector<1x16xf32> to vector<16xf32>
        %mul3A_175 = arith.mulf %get3A_170, %get3A_174 : vector<16xf32>
        %swap3A_176 = arith.index_cast %scan3A_154 : i32 to index
        %swap3A_177 = arith.constant 16 : index
        %swap3A_178 = tpu.vector_load %arg12[%swap3A_176, %swap3A_177] {strides = array<i32>} : memref<64x128xf32, #tpu.memory_space<vmem>>, vector<1x16xf32>,
        %swap3A_179 = vector.shape_cast %swap3A_178 : vector<1x16xf32> to vector<16xf32>
        %swap3A_180 = vector.shape_cast %mul3A_175 : vector<16xf32> to vector<1x16xf32>
        tpu.vector_store %arg12[%swap3A_176, %swap3A_177], %swap3A_180 {strides = array<i32>} : memref<64x128xf32, #tpu.memory_space<vmem>>, vector<1x16xf32>,
        %get3A_181 = arith.index_cast %scan3A_154 : i32 to index
        %get3A_182 = arith.constant 32 : index
        %get3A_183 = tpu.vector_load %arg12[%get3A_181, %get3A_182] {strides = array<i32>} : memref<64x128xf32, #tpu.memory_space<vmem>>, vector<1x16xf32>,
        %get3A_184 = vector.shape_cast %get3A_183 : vector<1x16xf32> to vector<16xf32>
        %get3A_185 = arith.index_cast %scan3A_154 : i32 to index
        %get3A_186 = arith.constant 32 : index
        %get3A_187 = tpu.vector_load %arg10[%get3A_185, %get3A_186] {strides = array<i32>} : memref<64x128xf32, #tpu.memory_space<vmem>>, vector<1x16xf32>,
        %get3A_188 = vector.shape_cast %get3A_187 : vector<1x16xf32> to vector<16xf32>
        %mul3A_189 = arith.mulf %get3A_184, %get3A_188 : vector<16xf32>
        %swap3A_190 = arith.index_cast %scan3A_154 : i32 to index
        %swap3A_191 = arith.constant 32 : index
        %swap3A_192 = tpu.vector_load %arg12[%swap3A_190, %swap3A_191] {strides = array<i32>} : memref<64x128xf32, #tpu.memory_space<vmem>>, vector<1x16xf32>,
        %swap3A_193 = vector.shape_cast %swap3A_192 : vector<1x16xf32> to vector<16xf32>
        %swap3A_194 = vector.shape_cast %mul3A_189 : vector<16xf32> to vector<1x16xf32>
        tpu.vector_store %arg12[%swap3A_190, %swap3A_191], %swap3A_194 {strides = array<i32>} : memref<64x128xf32, #tpu.memory_space<vmem>>, vector<1x16xf32>,
        %get3A_195 = arith.index_cast %scan3A_154 : i32 to index
        %get3A_196 = arith.constant 48 : index
        %get3A_197 = tpu.vector_load %arg12[%get3A_195, %get3A_196] {strides = array<i32>} : memref<64x128xf32, #tpu.memory_space<vmem>>, vector<1x16xf32>,
        %get3A_198 = vector.shape_cast %get3A_197 : vector<1x16xf32> to vector<16xf32>
        %get3A_199 = arith.index_cast %scan3A_154 : i32 to index
        %get3A_200 = arith.constant 48 : index
        %get3A_201 = tpu.vector_load %arg10[%get3A_199, %get3A_200] {strides = array<i32>} : memref<64x128xf32, #tpu.memory_space<vmem>>, vector<1x16xf32>,
        %get3A_202 = vector.shape_cast %get3A_201 : vector<1x16xf32> to vector<16xf32>
        %mul3A_203 = arith.mulf %get3A_198, %get3A_202 : vector<16xf32>
        %swap3A_204 = arith.index_cast %scan3A_154 : i32 to index
        %swap3A_205 = arith.constant 48 : index
        %swap3A_206 = tpu.vector_load %arg12[%swap3A_204, %swap3A_205] {strides = array<i32>} : memref<64x128xf32, #tpu.memory_space<vmem>>, vector<1x16xf32>,
        %swap3A_207 = vector.shape_cast %swap3A_206 : vector<1x16xf32> to vector<16xf32>
        %swap3A_208 = vector.shape_cast %mul3A_203 : vector<16xf32> to vector<1x16xf32>
        tpu.vector_store %arg12[%swap3A_204, %swap3A_205], %swap3A_208 {strides = array<i32>} : memref<64x128xf32, #tpu.memory_space<vmem>>, vector<1x16xf32>,
        %get3A_209 = arith.index_cast %scan3A_154 : i32 to index
        %get3A_210 = arith.constant 64 : index
        %get3A_211 = tpu.vector_load %arg12[%get3A_209, %get3A_210] {strides = array<i32>} : memref<64x128xf32, #tpu.memory_space<vmem>>, vector<1x16xf32>,
        %get3A_212 = vector.shape_cast %get3A_211 : vector<1x16xf32> to vector<16xf32>
        %get3A_213 = arith.index_cast %scan3A_154 : i32 to index
        %get3A_214 = arith.constant 64 : index
        %get3A_215 = tpu.vector_load %arg10[%get3A_213, %get3A_214] {strides = array<i32>} : memref<64x128xf32, #tpu.memory_space<vmem>>, vector<1x16xf32>,
        %get3A_216 = vector.shape_cast %get3A_215 : vector<1x16xf32> to vector<16xf32>
        %mul3A_217 = arith.mulf %get3A_212, %get3A_216 : vector<16xf32>
        %swap3A_218 = arith.index_cast %scan3A_154 : i32 to index
        %swap3A_219 = arith.constant 64 : index
        %swap3A_220 = tpu.vector_load %arg12[%swap3A_218, %swap3A_219] {strides = array<i32>} : memref<64x128xf32, #tpu.memory_space<vmem>>, vector<1x16xf32>,
        %swap3A_221 = vector.shape_cast %swap3A_220 : vector<1x16xf32> to vector<16xf32>
        %swap3A_222 = vector.shape_cast %mul3A_217 : vector<16xf32> to vector<1x16xf32>
        tpu.vector_store %arg12[%swap3A_218, %swap3A_219], %swap3A_222 {strides = array<i32>} : memref<64x128xf32, #tpu.memory_space<vmem>>, vector<1x16xf32>,
        %get3A_223 = arith.index_cast %scan3A_154 : i32 to index
        %get3A_224 = arith.constant 80 : index
        %get3A_225 = tpu.vector_load %arg12[%get3A_223, %get3A_224] {strides = array<i32>} : memref<64x128xf32, #tpu.memory_space<vmem>>, vector<1x16xf32>,
        %get3A_226 = vector.shape_cast %get3A_225 : vector<1x16xf32> to vector<16xf32>
        %get3A_227 = arith.index_cast %scan3A_154 : i32 to index
        %get3A_228 = arith.constant 80 : index
        %get3A_229 = tpu.vector_load %arg10[%get3A_227, %get3A_228] {strides = array<i32>} : memref<64x128xf32, #tpu.memory_space<vmem>>, vector<1x16xf32>,
        %get3A_230 = vector.shape_cast %get3A_229 : vector<1x16xf32> to vector<16xf32>
        %mul3A_231 = arith.mulf %get3A_226, %get3A_230 : vector<16xf32>
        %swap3A_232 = arith.index_cast %scan3A_154 : i32 to index
        %swap3A_233 = arith.constant 80 : index
        %swap3A_234 = tpu.vector_load %arg12[%swap3A_232, %swap3A_233] {strides = array<i32>} : memref<64x128xf32, #tpu.memory_space<vmem>>, vector<1x16xf32>,
        %swap3A_235 = vector.shape_cast %swap3A_234 : vector<1x16xf32> to vector<16xf32>
        %swap3A_236 = vector.shape_cast %mul3A_231 : vector<16xf32> to vector<1x16xf32>
        tpu.vector_store %arg12[%swap3A_232, %swap3A_233], %swap3A_236 {strides = array<i32>} : memref<64x128xf32, #tpu.memory_space<vmem>>, vector<1x16xf32>,
        %get3A_237 = arith.index_cast %scan3A_154 : i32 to index
        %get3A_238 = arith.constant 96 : index
        %get3A_239 = tpu.vector_load %arg12[%get3A_237, %get3A_238] {strides = array<i32>} : memref<64x128xf32, #tpu.memory_space<vmem>>, vector<1x16xf32>,
        %get3A_240 = vector.shape_cast %get3A_239 : vector<1x16xf32> to vector<16xf32>
        %get3A_241 = arith.index_cast %scan3A_154 : i32 to index
        %get3A_242 = arith.constant 96 : index
        %get3A_243 = tpu.vector_load %arg10[%get3A_241, %get3A_242] {strides = array<i32>} : memref<64x128xf32, #tpu.memory_space<vmem>>, vector<1x16xf32>,
        %get3A_244 = vector.shape_cast %get3A_243 : vector<1x16xf32> to vector<16xf32>
        %mul3A_245 = arith.mulf %get3A_240, %get3A_244 : vector<16xf32>
        %swap3A_246 = arith.index_cast %scan3A_154 : i32 to index
        %swap3A_247 = arith.constant 96 : index
        %swap3A_248 = tpu.vector_load %arg12[%swap3A_246, %swap3A_247] {strides = array<i32>} : memref<64x128xf32, #tpu.memory_space<vmem>>, vector<1x16xf32>,
        %swap3A_249 = vector.shape_cast %swap3A_248 : vector<1x16xf32> to vector<16xf32>
        %swap3A_250 = vector.shape_cast %mul3A_245 : vector<16xf32> to vector<1x16xf32>
        tpu.vector_store %arg12[%swap3A_246, %swap3A_247], %swap3A_250 {strides = array<i32>} : memref<64x128xf32, #tpu.memory_space<vmem>>, vector<1x16xf32>,
        %get3A_251 = arith.index_cast %scan3A_154 : i32 to index
        %get3A_252 = arith.constant 112 : index
        %get3A_253 = tpu.vector_load %arg12[%get3A_251, %get3A_252] {strides = array<i32>} : memref<64x128xf32, #tpu.memory_space<vmem>>, vector<1x16xf32>,
        %get3A_254 = vector.shape_cast %get3A_253 : vector<1x16xf32> to vector<16xf32>
        %get3A_255 = arith.index_cast %scan3A_154 : i32 to index
        %get3A_256 = arith.constant 112 : index
        %get3A_257 = tpu.vector_load %arg10[%get3A_255, %get3A_256] {strides = array<i32>} : memref<64x128xf32, #tpu.memory_space<vmem>>, vector<1x16xf32>,
        %get3A_258 = vector.shape_cast %get3A_257 : vector<1x16xf32> to vector<16xf32>
        %mul3A_259 = arith.mulf %get3A_254, %get3A_258 : vector<16xf32>
        %swap3A_260 = arith.index_cast %scan3A_154 : i32 to index
        %swap3A_261 = arith.constant 112 : index
        %swap3A_262 = tpu.vector_load %arg12[%swap3A_260, %swap3A_261] {strides = array<i32>} : memref<64x128xf32, #tpu.memory_space<vmem>>, vector<1x16xf32>,
        %swap3A_263 = vector.shape_cast %swap3A_262 : vector<1x16xf32> to vector<16xf32>
        %swap3A_264 = vector.shape_cast %mul3A_259 : vector<16xf32> to vector<1x16xf32>
        tpu.vector_store %arg12[%swap3A_260, %swap3A_261], %swap3A_264 {strides = array<i32>} : memref<64x128xf32, #tpu.memory_space<vmem>>, vector<1x16xf32>,
      }
      %scan3A_146 = arith.constant 64 : i32
      %dma_start3A_147 = arith.constant 1 : i32
      %dma_start3A_148 = arith.constant 0 : i32
      %dma_start3A_149 = tpu.memref_slice %arg8[%dma_start3A_147, %dma_start3A_148] : memref<2x64xi32, #tpu.memory_space<vmem>> -> memref<1x64xi32, #tpu.memory_space<vmem>>
      %dma_start3A_150 = tpu.memref_squeeze %dma_start3A_149 : memref<1x64xi32, #tpu.memory_space<vmem>> -> memref<64xi32, #tpu.memory_space<vmem>>
      %dma_start3A_151 = arith.constant 0 : i32
      %dma_start3A_152 = arith.constant 0 : i32
      %dma_start3A_153 = tpu.memref_slice %arg13[%dma_start3A_151, %dma_start3A_152] : memref<10112x128xf32, #tpu.memory_space<vmem_shared>> -> memref<10112x128xf32, #tpu.memory_space<vmem_shared>>
      tpu.enqueue_indirect_dma source(%arg12 : memref<64x128xf32, #tpu.memory_space<vmem>>) target(%dma_start3A_153 : memref<10112x128xf32, #tpu.memory_space<vmem_shared>>) offsets(%dma_start3A_150 : memref<64xi32, #tpu.memory_space<vmem>>) semaphore(%arg19 : memref<!tpu.dma_semaphore, #tpu.memory_space<semaphore_mem>>) {add = true}
    }
    %dma_wait3A = arith.constant 1 : i32
    %dma_wait3A_52 = arith.constant 0 : i32
    %dma_wait3A_53 = tpu.memref_slice %arg8[%dma_wait3A, %dma_wait3A_52] : memref<2x64xi32, #tpu.memory_space<vmem>> -> memref<1x64xi32, #tpu.memory_space<vmem>>
    %dma_wait3A_54 = tpu.memref_squeeze %dma_wait3A_53 : memref<1x64xi32, #tpu.memory_space<vmem>> -> memref<64xi32, #tpu.memory_space<vmem>>
    %dma_wait3A_55 = arith.constant 0 : i32
    %dma_wait3A_56 = arith.constant 0 : i32
    %dma_wait3A_57 = tpu.memref_slice %arg13[%dma_wait3A_55, %dma_wait3A_56] : memref<10112x128xf32, #tpu.memory_space<vmem_shared>> -> memref<10112x128xf32, #tpu.memory_space<vmem_shared>>
    tpu.wait_indirect_dma semaphore(%arg19 : memref<!tpu.dma_semaphore, #tpu.memory_space<semaphore_mem>>) src(%arg12 : memref<64x128xf32, #tpu.memory_space<vmem>>) dst(%dma_wait3A_57 : memref<10112x128xf32, #tpu.memory_space<vmem_shared>>)
    %barrier3A_58 = arith.constant 0 : index
    tpu.barrier barrier_id(%barrier3A_58)
    %mul3A_59 = arith.constant 10112 : i32
    %mul3A_60 = arith.muli %arg0, %mul3A_59 : i32
    %add3A_61 = arith.addi %mul3A_60, %mul3A_10 : i32
    "tpu.region"() ({
      %run_scoped3A = tpu.sem_alloc : memref<!tpu.dma_semaphore, #tpu.memory_space<semaphore_mem>>
      %dma_start3A_62 = arith.constant 0 : i32
      %dma_start3A_63 = tpu.memref_slice %arg6[%add3A_61, %dma_start3A_62] : memref<20224x128xf32, #tpu.memory_space<hbm>> -> memref<632x128xf32, #tpu.memory_space<hbm>>
      %dma_start3A_64 = arith.constant 0 : i32
      %dma_start3A_65 = tpu.memref_slice %arg13[%mul3A_10, %dma_start3A_64] : memref<10112x128xf32, #tpu.memory_space<vmem_shared>> -> memref<632x128xf32, #tpu.memory_space<vmem_shared>>
      tpu.enqueue_dma source(%dma_start3A_65 : memref<632x128xf32, #tpu.memory_space<vmem_shared>>) target(%dma_start3A_63 : memref<632x128xf32, #tpu.memory_space<hbm>>) target_semaphore(%run_scoped3A : memref<!tpu.dma_semaphore, #tpu.memory_space<semaphore_mem>>)
      %dma_wait3A_66 = arith.constant 0 : i32
      %dma_wait3A_67 = tpu.memref_slice %arg6[%add3A_61, %dma_wait3A_66] : memref<20224x128xf32, #tpu.memory_space<hbm>> -> memref<632x128xf32, #tpu.memory_space<hbm>>
      %dma_wait3A_68 = arith.constant 0 : i32
      %dma_wait3A_69 = tpu.memref_slice %arg13[%mul3A_10, %dma_wait3A_68] : memref<10112x128xf32, #tpu.memory_space<vmem_shared>> -> memref<632x128xf32, #tpu.memory_space<vmem_shared>>
      tpu.wait_dma2 semaphore(%run_scoped3A : memref<!tpu.dma_semaphore, #tpu.memory_space<semaphore_mem>>) src(%dma_wait3A_69 : memref<632x128xf32, #tpu.memory_space<vmem_shared>>) dst(%dma_wait3A_67 : memref<632x128xf32, #tpu.memory_space<hbm>>)
      tpu.yield
    }) : () -> ()
    return
  }
}

module attributes {stable_mosaic.version = 14 : i64} {
  func.func @_xw_body(%arg0: memref<10000x128xf32, #tpu.memory_space<vmem>>, %arg1: memref<128x128xf32, #tpu.memory_space<vmem>>, %arg2: memref<10000x128xf32, #tpu.memory_space<vmem>>) attributes {dimension_semantics = [], scalar_prefetch = 0 : i64, scratch_operands = 0 : i64, tpu.core_type = #tpu.core_type<tc>} {
    %get3A = arith.constant 0 : index
    %get3A_0 = arith.constant 0 : index
    %get3A_1 = vector.load %arg0[%get3A, %get3A_0] : memref<10000x128xf32, #tpu.memory_space<vmem>>, vector<10000x128xf32>
    %get3A_2 = arith.constant 0 : index
    %get3A_3 = arith.constant 0 : index
    %get3A_4 = vector.load %arg1[%get3A_2, %get3A_3] : memref<128x128xf32, #tpu.memory_space<vmem>>, vector<128x128xf32>
    %dot_general3A = arith.constant dense<0.000000e+00> : vector<10000x128xf32>
    %dot_general3A_5 = tpu.matmul %get3A_1, %get3A_4, %dot_general3A {dimension_numbers = #tpu.dot_dimension_numbers<[1], [0], [0], [1], [0, 0, 1, 1], [], []>, transpose_lhs_hint = false} : vector<10000x128xf32>, vector<128x128xf32>, vector<10000x128xf32> -> vector<10000x128xf32>
    %swap3A = arith.constant 0 : index
    %swap3A_6 = arith.constant 0 : index
    %swap3A_7 = vector.load %arg2[%swap3A, %swap3A_6] : memref<10000x128xf32, #tpu.memory_space<vmem>>, vector<10000x128xf32>
    tpu.vector_store %arg2[%swap3A, %swap3A_6], %dot_general3A_5 {strides = array<i32>} : memref<10000x128xf32, #tpu.memory_space<vmem>>, vector<10000x128xf32>,
    return
  }
}

module attributes {stable_mosaic.version = 14 : i64} {
  func.func @_filter_body(%arg0: i32, %arg1: memref<2000x16xf32, #tpu.memory_space<vmem>>, %arg2: memref<16x128xf32, #tpu.memory_space<vmem>>, %arg3: memref<1x128xf32, #tpu.memory_space<vmem>>, %arg4: memref<128x128xf32, #tpu.memory_space<vmem>>, %arg5: memref<1x128xf32, #tpu.memory_space<vmem>>, %arg6: memref<2000x128xf32, #tpu.memory_space<vmem>>) attributes {dimension_semantics = [#tpu.dimension_semantics<arbitrary>], iteration_bounds = array<i64: 160>, scalar_prefetch = 0 : i64, scratch_operands = 0 : i64, tpu.core_type = #tpu.core_type<tc>, window_params = [{transform_indices = @transform_0, window_bounds = array<i64: 2000, 16>}, {pipeline_mode = #tpu.pipeline_mode<synchronous>, transform_indices = @transform_1, window_bounds = array<i64: 16, 128>}, {pipeline_mode = #tpu.pipeline_mode<synchronous>, transform_indices = @transform_2, window_bounds = array<i64: 1, 128>}, {pipeline_mode = #tpu.pipeline_mode<synchronous>, transform_indices = @transform_3, window_bounds = array<i64: 128, 128>}, {pipeline_mode = #tpu.pipeline_mode<synchronous>, transform_indices = @transform_4, window_bounds = array<i64: 1, 128>}, {transform_indices = @transform_5, window_bounds = array<i64: 2000, 128>}]} {
    %get3A = arith.constant 0 : index
    %get3A_0 = arith.constant 0 : index
    %get3A_1 = vector.load %arg1[%get3A, %get3A_0] : memref<2000x16xf32, #tpu.memory_space<vmem>>, vector<2000x16xf32>
    %get3A_2 = arith.constant 0 : index
    %get3A_3 = arith.constant 0 : index
    %get3A_4 = vector.load %arg2[%get3A_2, %get3A_3] : memref<16x128xf32, #tpu.memory_space<vmem>>, vector<16x128xf32>
    %dot_general3A = arith.constant dense<0.000000e+00> : vector<2000x128xf32>
    %dot_general3A_5 = tpu.matmul %get3A_1, %get3A_4, %dot_general3A {dimension_numbers = #tpu.dot_dimension_numbers<[1], [0], [0], [1], [0, 0, 1, 1], [], []>, transpose_lhs_hint = false} : vector<2000x16xf32>, vector<16x128xf32>, vector<2000x128xf32> -> vector<2000x128xf32>
    %get3A_6 = arith.constant 0 : index
    %get3A_7 = arith.constant 0 : index
    %get3A_8 = vector.load %arg3[%get3A_6, %get3A_7] : memref<1x128xf32, #tpu.memory_space<vmem>>, vector<1x128xf32>
    %add3A = vector.broadcast %get3A_8 : vector<1x128xf32> to vector<2000x128xf32>
    %add3A_9 = arith.addf %dot_general3A_5, %add3A : vector<2000x128xf32>
    %max3A = arith.constant 0.000000e+00 : f32
    %max3A_10 = vector.broadcast %max3A : f32 to vector<2000x128xf32>
    %max3A_11 = arith.maximumf %add3A_9, %max3A_10 : vector<2000x128xf32>
    %abs3A = math.absf %add3A_9 : vector<2000x128xf32>
    %neg3A = arith.constant 0.000000e+00 : f32
    %neg3A_12 = vector.broadcast %neg3A : f32 to vector<2000x128xf32>
    %neg3A_13 = arith.subf %neg3A_12, %abs3A : vector<2000x128xf32>
    %exp3A = math.exp %neg3A_13 : vector<2000x128xf32>
    %add3A_14 = arith.constant 1.000000e+00 : f32
    %add3A_15 = vector.broadcast %add3A_14 : f32 to vector<2000x128xf32>
    %add3A_16 = arith.addf %add3A_15, %exp3A : vector<2000x128xf32>
    %log3A = math.log %add3A_16 : vector<2000x128xf32>
    %add3A_17 = arith.addf %max3A_11, %log3A : vector<2000x128xf32>
    %sub3A = arith.constant 0.693147182 : f32
    %sub3A_18 = vector.broadcast %sub3A : f32 to vector<2000x128xf32>
    %sub3A_19 = arith.subf %add3A_17, %sub3A_18 : vector<2000x128xf32>
    %get3A_20 = arith.constant 0 : index
    %get3A_21 = arith.constant 0 : index
    %get3A_22 = vector.load %arg4[%get3A_20, %get3A_21] : memref<128x128xf32, #tpu.memory_space<vmem>>, vector<128x128xf32>
    %dot_general3A_23 = arith.constant dense<0.000000e+00> : vector<2000x128xf32>
    %dot_general3A_24 = tpu.matmul %sub3A_19, %get3A_22, %dot_general3A_23 {dimension_numbers = #tpu.dot_dimension_numbers<[1], [0], [0], [1], [0, 0, 1, 1], [], []>, transpose_lhs_hint = false} : vector<2000x128xf32>, vector<128x128xf32>, vector<2000x128xf32> -> vector<2000x128xf32>
    %get3A_25 = arith.constant 0 : index
    %get3A_26 = arith.constant 0 : index
    %get3A_27 = vector.load %arg5[%get3A_25, %get3A_26] : memref<1x128xf32, #tpu.memory_space<vmem>>, vector<1x128xf32>
    %add3A_28 = vector.broadcast %get3A_27 : vector<1x128xf32> to vector<2000x128xf32>
    %add3A_29 = arith.addf %dot_general3A_24, %add3A_28 : vector<2000x128xf32>
    %max3A_30 = arith.constant 0.000000e+00 : f32
    %max3A_31 = vector.broadcast %max3A_30 : f32 to vector<2000x128xf32>
    %max3A_32 = arith.maximumf %add3A_29, %max3A_31 : vector<2000x128xf32>
    %abs3A_33 = math.absf %add3A_29 : vector<2000x128xf32>
    %neg3A_34 = arith.constant 0.000000e+00 : f32
    %neg3A_35 = vector.broadcast %neg3A_34 : f32 to vector<2000x128xf32>
    %neg3A_36 = arith.subf %neg3A_35, %abs3A_33 : vector<2000x128xf32>
    %exp3A_37 = math.exp %neg3A_36 : vector<2000x128xf32>
    %add3A_38 = arith.constant 1.000000e+00 : f32
    %add3A_39 = vector.broadcast %add3A_38 : f32 to vector<2000x128xf32>
    %add3A_40 = arith.addf %add3A_39, %exp3A_37 : vector<2000x128xf32>
    %log3A_41 = math.log %add3A_40 : vector<2000x128xf32>
    %add3A_42 = arith.addf %max3A_32, %log3A_41 : vector<2000x128xf32>
    %sub3A_43 = arith.constant 0.693147182 : f32
    %sub3A_44 = vector.broadcast %sub3A_43 : f32 to vector<2000x128xf32>
    %sub3A_45 = arith.subf %add3A_42, %sub3A_44 : vector<2000x128xf32>
    %swap3A = arith.constant 0 : index
    %swap3A_46 = arith.constant 0 : index
    %swap3A_47 = vector.load %arg6[%swap3A, %swap3A_46] : memref<2000x128xf32, #tpu.memory_space<vmem>>, vector<2000x128xf32>
    tpu.vector_store %arg6[%swap3A, %swap3A_46], %sub3A_45 {strides = array<i32>} : memref<2000x128xf32, #tpu.memory_space<vmem>>, vector<2000x128xf32>,
    return
  }
  func.func @transform_0(%arg0: i32) -> (i32, i32) {
    %c0_i32 = arith.constant 0 : i32
    %c0_i32_0 = arith.constant 0 : i32
    return %arg0, %c0_i32 : i32, i32
  }
  func.func @transform_1(%arg0: i32) -> (i32, i32) {
    %c0_i32 = arith.constant 0 : i32
    %c0_i32_0 = arith.constant 0 : i32
    %c0_i32_1 = arith.constant 0 : i32
    return %c0_i32, %c0_i32_0 : i32, i32
  }
  func.func @transform_2(%arg0: i32) -> (i32, i32) {
    %c0_i32 = arith.constant 0 : i32
    %c0_i32_0 = arith.constant 0 : i32
    %c0_i32_1 = arith.constant 0 : i32
    return %c0_i32, %c0_i32_0 : i32, i32
  }
  func.func @transform_3(%arg0: i32) -> (i32, i32) {
    %c0_i32 = arith.constant 0 : i32
    %c0_i32_0 = arith.constant 0 : i32
    %c0_i32_1 = arith.constant 0 : i32
    return %c0_i32, %c0_i32_0 : i32, i32
  }
  func.func @transform_4(%arg0: i32) -> (i32, i32) {
    %c0_i32 = arith.constant 0 : i32
    %c0_i32_0 = arith.constant 0 : i32
    %c0_i32_1 = arith.constant 0 : i32
    return %c0_i32, %c0_i32_0 : i32, i32
  }
  func.func @transform_5(%arg0: i32) -> (i32, i32) {
    %c0_i32 = arith.constant 0 : i32
    %c0_i32_0 = arith.constant 0 : i32
    return %arg0, %c0_i32 : i32, i32
  }
}

module attributes {stable_mosaic.version = 14 : i64} {
  func.func @_final_body(%arg0: i32, %arg1: memref<1000x128xf32, #tpu.memory_space<vmem>>, %arg2: memref<1000x128xf32, #tpu.memory_space<vmem>>, %arg3: memref<1000x32xf32, #tpu.memory_space<vmem>>, %arg4: memref<1000x128xf32, #tpu.memory_space<vmem>>, %arg5: memref<128x128xf32, #tpu.memory_space<vmem>>, %arg6: memref<1x128xf32, #tpu.memory_space<vmem>>, %arg7: memref<128x128xf32, #tpu.memory_space<vmem>>, %arg8: memref<1x128xf32, #tpu.memory_space<vmem>>, %arg9: memref<1000x128xf32, #tpu.memory_space<vmem>>) attributes {dimension_semantics = [#tpu.dimension_semantics<arbitrary>], iteration_bounds = array<i64: 10>, scalar_prefetch = 0 : i64, scratch_operands = 0 : i64, tpu.core_type = #tpu.core_type<tc>, window_params = [{transform_indices = @transform_0, window_bounds = array<i64: 1000, 128>}, {transform_indices = @transform_1, window_bounds = array<i64: 1000, 128>}, {transform_indices = @transform_2, window_bounds = array<i64: 1000, 32>}, {transform_indices = @transform_3, window_bounds = array<i64: 1000, 128>}, {pipeline_mode = #tpu.pipeline_mode<synchronous>, transform_indices = @transform_4, window_bounds = array<i64: 128, 128>}, {pipeline_mode = #tpu.pipeline_mode<synchronous>, transform_indices = @transform_5, window_bounds = array<i64: 1, 128>}, {pipeline_mode = #tpu.pipeline_mode<synchronous>, transform_indices = @transform_6, window_bounds = array<i64: 128, 128>}, {pipeline_mode = #tpu.pipeline_mode<synchronous>, transform_indices = @transform_7, window_bounds = array<i64: 1, 128>}, {transform_indices = @transform_8, window_bounds = array<i64: 1000, 128>}]} {
    %get3A = arith.constant 0 : index
    %get3A_0 = arith.constant 0 : index
    %get3A_1 = vector.load %arg3[%get3A, %get3A_0] : memref<1000x32xf32, #tpu.memory_space<vmem>>, vector<1000x32xf32>
    %reduce_sum3A = arith.constant dense<0.000000e+00> : vector<1000xf32>
    %reduce_sum3A_2 = vector.multi_reduction <add>, %get3A_1, %reduce_sum3A [1] : vector<1000x32xf32> to vector<1000xf32>
    %broadcast_in_dim3A = vector.shape_cast %reduce_sum3A_2 : vector<1000xf32> to vector<1000x1xf32>
    %get3A_3 = arith.constant 0 : index
    %get3A_4 = arith.constant 0 : index
    %get3A_5 = vector.load %arg1[%get3A_3, %get3A_4] : memref<1000x128xf32, #tpu.memory_space<vmem>>, vector<1000x128xf32>
    %get3A_6 = arith.constant 0 : index
    %get3A_7 = arith.constant 0 : index
    %get3A_8 = vector.load %arg2[%get3A_6, %get3A_7] : memref<1000x128xf32, #tpu.memory_space<vmem>>, vector<1000x128xf32>
    %add3A = arith.addf %get3A_5, %get3A_8 : vector<1000x128xf32>
    %max3A = arith.constant 1.000000e+00 : f32
    %max3A_9 = vector.broadcast %max3A : f32 to vector<1000x1xf32>
    %max3A_10 = arith.maximumf %broadcast_in_dim3A, %max3A_9 : vector<1000x1xf32>
    %div3A = vector.broadcast %max3A_10 : vector<1000x1xf32> to vector<1000x128xf32>
    %div3A_11 = arith.divf %add3A, %div3A : vector<1000x128xf32>
    %get3A_12 = arith.constant 0 : index
    %get3A_13 = arith.constant 0 : index
    %get3A_14 = vector.load %arg5[%get3A_12, %get3A_13] : memref<128x128xf32, #tpu.memory_space<vmem>>, vector<128x128xf32>
    %dot_general3A = arith.constant dense<0.000000e+00> : vector<1000x128xf32>
    %dot_general3A_15 = tpu.matmul %div3A_11, %get3A_14, %dot_general3A {dimension_numbers = #tpu.dot_dimension_numbers<[1], [0], [0], [1], [0, 0, 1, 1], [], []>, transpose_lhs_hint = false} : vector<1000x128xf32>, vector<128x128xf32>, vector<1000x128xf32> -> vector<1000x128xf32>
    %get3A_16 = arith.constant 0 : index
    %get3A_17 = arith.constant 0 : index
    %get3A_18 = vector.load %arg6[%get3A_16, %get3A_17] : memref<1x128xf32, #tpu.memory_space<vmem>>, vector<1x128xf32>
    %add3A_19 = vector.broadcast %get3A_18 : vector<1x128xf32> to vector<1000x128xf32>
    %add3A_20 = arith.addf %dot_general3A_15, %add3A_19 : vector<1000x128xf32>
    %max3A_21 = arith.constant 0.000000e+00 : f32
    %max3A_22 = vector.broadcast %max3A_21 : f32 to vector<1000x128xf32>
    %max3A_23 = arith.maximumf %add3A_20, %max3A_22 : vector<1000x128xf32>
    %abs3A = math.absf %add3A_20 : vector<1000x128xf32>
    %neg3A = arith.constant 0.000000e+00 : f32
    %neg3A_24 = vector.broadcast %neg3A : f32 to vector<1000x128xf32>
    %neg3A_25 = arith.subf %neg3A_24, %abs3A : vector<1000x128xf32>
    %exp3A = math.exp %neg3A_25 : vector<1000x128xf32>
    %add3A_26 = arith.constant 1.000000e+00 : f32
    %add3A_27 = vector.broadcast %add3A_26 : f32 to vector<1000x128xf32>
    %add3A_28 = arith.addf %add3A_27, %exp3A : vector<1000x128xf32>
    %log3A = math.log %add3A_28 : vector<1000x128xf32>
    %add3A_29 = arith.addf %max3A_23, %log3A : vector<1000x128xf32>
    %sub3A = arith.constant 0.693147182 : f32
    %sub3A_30 = vector.broadcast %sub3A : f32 to vector<1000x128xf32>
    %sub3A_31 = arith.subf %add3A_29, %sub3A_30 : vector<1000x128xf32>
    %get3A_32 = arith.constant 0 : index
    %get3A_33 = arith.constant 0 : index
    %get3A_34 = vector.load %arg7[%get3A_32, %get3A_33] : memref<128x128xf32, #tpu.memory_space<vmem>>, vector<128x128xf32>
    %dot_general3A_35 = arith.constant dense<0.000000e+00> : vector<1000x128xf32>
    %dot_general3A_36 = tpu.matmul %sub3A_31, %get3A_34, %dot_general3A_35 {dimension_numbers = #tpu.dot_dimension_numbers<[1], [0], [0], [1], [0, 0, 1, 1], [], []>, transpose_lhs_hint = false} : vector<1000x128xf32>, vector<128x128xf32>, vector<1000x128xf32> -> vector<1000x128xf32>
    %get3A_37 = arith.constant 0 : index
    %get3A_38 = arith.constant 0 : index
    %get3A_39 = vector.load %arg4[%get3A_37, %get3A_38] : memref<1000x128xf32, #tpu.memory_space<vmem>>, vector<1000x128xf32>
    %add3A_40 = arith.addf %get3A_39, %dot_general3A_36 : vector<1000x128xf32>
    %get3A_41 = arith.constant 0 : index
    %get3A_42 = arith.constant 0 : index
    %get3A_43 = vector.load %arg8[%get3A_41, %get3A_42] : memref<1x128xf32, #tpu.memory_space<vmem>>, vector<1x128xf32>
    %add3A_44 = vector.broadcast %get3A_43 : vector<1x128xf32> to vector<1000x128xf32>
    %add3A_45 = arith.addf %add3A_40, %add3A_44 : vector<1000x128xf32>
    %swap3A = arith.constant 0 : index
    %swap3A_46 = arith.constant 0 : index
    %swap3A_47 = vector.load %arg9[%swap3A, %swap3A_46] : memref<1000x128xf32, #tpu.memory_space<vmem>>, vector<1000x128xf32>
    tpu.vector_store %arg9[%swap3A, %swap3A_46], %add3A_45 {strides = array<i32>} : memref<1000x128xf32, #tpu.memory_space<vmem>>, vector<1000x128xf32>,
    return
  }
  func.func @transform_0(%arg0: i32) -> (i32, i32) {
    %c0_i32 = arith.constant 0 : i32
    %c0_i32_0 = arith.constant 0 : i32
    return %arg0, %c0_i32 : i32, i32
  }
  func.func @transform_1(%arg0: i32) -> (i32, i32) {
    %c0_i32 = arith.constant 0 : i32
    %c0_i32_0 = arith.constant 0 : i32
    return %arg0, %c0_i32 : i32, i32
  }
  func.func @transform_2(%arg0: i32) -> (i32, i32) {
    %c0_i32 = arith.constant 0 : i32
    %c0_i32_0 = arith.constant 0 : i32
    return %arg0, %c0_i32 : i32, i32
  }
  func.func @transform_3(%arg0: i32) -> (i32, i32) {
    %c0_i32 = arith.constant 0 : i32
    %c0_i32_0 = arith.constant 0 : i32
    return %arg0, %c0_i32 : i32, i32
  }
  func.func @transform_4(%arg0: i32) -> (i32, i32) {
    %c0_i32 = arith.constant 0 : i32
    %c0_i32_0 = arith.constant 0 : i32
    %c0_i32_1 = arith.constant 0 : i32
    return %c0_i32, %c0_i32_0 : i32, i32
  }
  func.func @transform_5(%arg0: i32) -> (i32, i32) {
    %c0_i32 = arith.constant 0 : i32
    %c0_i32_0 = arith.constant 0 : i32
    %c0_i32_1 = arith.constant 0 : i32
    return %c0_i32, %c0_i32_0 : i32, i32
  }
  func.func @transform_6(%arg0: i32) -> (i32, i32) {
    %c0_i32 = arith.constant 0 : i32
    %c0_i32_0 = arith.constant 0 : i32
    %c0_i32_1 = arith.constant 0 : i32
    return %c0_i32, %c0_i32_0 : i32, i32
  }
  func.func @transform_7(%arg0: i32) -> (i32, i32) {
    %c0_i32 = arith.constant 0 : i32
    %c0_i32_0 = arith.constant 0 : i32
    %c0_i32_1 = arith.constant 0 : i32
    return %c0_i32, %c0_i32_0 : i32, i32
  }
  func.func @transform_8(%arg0: i32) -> (i32, i32) {
    %c0_i32 = arith.constant 0 : i32
    %c0_i32_0 = arith.constant 0 : i32
    return %arg0, %c0_i32 : i32, i32
  }
}

</mosaic_0001>

<sc_bundles>
// kernel: kernel.10.cloned.1.call-start
scs
__scs_entry_jumppad:
0x0: {  	(pc) =	sbr.rel $0x88, $3  }
0x1: {  	(tag) =	ssettag $0x0;
	lr =	simm.s32 $0x1  }
0x2: {  	[smem:$0x3F94] =	sst lr;
	_ =	strace $0xD0000000  }
0x3: {  	_ = 	snop  }
0x4: {  	_ = 	snop  }
0x5: {  	_ = 	snop  }
0x6: {  	_ = 	snop  }
0x7: {  	_ = 	snop  }
__scs_overlays_trampoline_lowered:
0x8: {  	[smem:$0x3FA3] =	sst s0  }
0x9: {  	[smem:$0x3FA4] =	sst s1  }
0xa: {  	[smem:$0x3FA5] =	sst s2  }
0xb: {  	[smem:$0x3FA6] =	sst s3  }
0xc: {  	[smem:$0x3FA7] =	sst s4  }
0xd: {  	[smem:$0x3FA8] =	sst s5  }
0xe: {  	[smem:$0x3FA9] =	sst s6  }
0xf: {  	[smem:$0x3FAA] =	sst s7  }
0x10: {  	[smem:$0x3FAB] =	sst s8  }
0x11: {  	[smem:$0x3FAC] =	sst s9;
	s0 =	simm.s32 @!p0 $0x0  }
0x12: {  	s1 =	sld [smem:$0x3F92];
	s0 =	simm.s32 @p0 $0x1  }
0x13: {  	[smem:$0x3FAD] =	sst s0;
	s0 =	simm.s32 @!p1 $0x0  }
0x14: {  	s2 =	sld [smem:$0x3F91];
	s0 =	simm.s32 @p1 $0x1  }
0x15: {  	[smem:$0x3FAE] =	sst s0;
	s0 =	simm.s32 @!p2 $0x0  }
0x16: {  	s3 =	sld [smem:$0x3FDB];
	s0 =	simm.s32 @p2 $0x1  }
0x17: {  	s4 =	simm.s32 $0x1BF5;
	[smem:$0x3FB0] =	sst s0  }
0x18: {  	s0 =	sld [smem:$0x3F93];
	_ =	swait.ge [sflag:s4], $0x0  }
0x19: {  	s7 =	sld [smem:$0x3F94]  }
0x1a: {  	s8 =	sadd.s32 $0xFFFFE003, lr  }
0x1b: {  	s9 =	sadd.s32 $0xFFFFFEF7, lr;
	s5 =	simm.s32 $0xFFFFFFFF;
	p2 =	slt.u32 s8, $0xFFFFF086  }
0x1c: {  	p1 =	slt.u32 s9, $0xF7A;
	s5 =	simm.s32 @!p2 $0x0  }
0x1d: {  	s5 =	simm.s32 @p1 $0x1;
	p0 =	seq.s32 s7, s2  }
0x1e: {  	s7 =	smul.u32 @!p0 $0xF7A, s2;
	p2 =	seq.s32 @!p0 s5, $0x0  }
0x1f: {  	s9 =	smul.u32 $0xF7A, s1;
	s8 =	simm.s32 @!p0 $0x1BF5;
	p2 =	por !p2, p0  }
0x20: {  	[sflag:s8] =	ssyncset.s32 @!p0 $0xFFFFF086;
	s6 =	sadd.s32 @!p0 s3, s7;
	s7 =	simm.s32 @!p0 $0x108  }
0x21: {  	s3 =	sadd.s32 s3, s9;
	s6 =	sadd.s32 @!p0 $0x88, s6;
	s7 =	simm.s32 @p2 $0x1082  }
0x22: {  	[simem:s7], [sflag:s8] =	dma.local @!p0 [hbm:s6], $0xF7A  }
0x23: {  	s9 =	sor.u32 $0xD0000000, s2;
	s6 =	simm.s32 $0x108;
	_ =	swait.ge @!p0 [sflag:s8], $0x0  }
0x24: {  	s3 =	sadd.s32 $0x88, s3;
	s6 =	simm.s32 @!p1 $0x1082;
	[sflag:s4] =	ssyncset.s32 $0xFFFFF086  }
0x25: {  	[simem:s6], [sflag:s4] =	dma.local [hbm:s3], $0xF7A  }
0x26: {  	[smem:$0x3F94] =	sst s1;
	(tag) =	ssettag s2;
	_ =	strace s9  }
0x27: {  	s1 =	sld [smem:$0x3FA4]  }
0x28: {  	s2 =	sld [smem:$0x3FA5]  }
0x29: {  	s4 =	sld [smem:$0x3FA7]  }
0x2a: {  	p0 =	seq.s32 s5, $0x0;
	s5 =	sld [smem:$0x3FA8]  }
0x2b: {  	s6 =	sld [smem:$0x3FA9]  }
0x2c: {  	s7 =	sld [smem:$0x3FAA]  }
0x2d: {  	s3 =	simm.s32 $0x108;
	s8 =	sld [smem:$0x3FAB]  }
0x2e: {  	s3 =	simm.s32 @!p0 $0x1082;
	s9 =	sld [smem:$0x3FAC]  }
0x2f: {  	lr =	sadd.s32 s0, s3;
	s0 =	sld [smem:$0x3FA3]  }
0x30: {  	s3 =	sld [smem:$0x3FA6]  }
0x31: {  	[smem:$0x3FAF] =	sst s10  }
0x32: {  	s10 =	sld [smem:$0x3FAD];
	_ =	sdelay $0x3  }
0x33: {  	p0 =	seq.s32 s10, $0x1;
	s10 =	sld [smem:$0x3FAF];
	_ =	sdelay $0x3  }
0x34: {  	[smem:$0x3FAF] =	sst s10  }
0x35: {  	s10 =	sld [smem:$0x3FAE];
	_ =	sdelay $0x3  }
0x36: {  	p1 =	seq.s32 s10, $0x1;
	s10 =	sld [smem:$0x3FAF];
	_ =	sdelay $0x3  }
0x37: {  	[smem:$0x3FAF] =	sst s10  }
0x38: {  	s10 =	sld [smem:$0x3FB0]  }
0x39: {  	_ = 	snop;
	(pc) =	sbr.ind lr, $3  }
0x3a: {  	_ = 	snop  }
0x3b: {  	_ = 	snop  }
0x3c: {  	p2 =	seq.s32 s10, $0x1;
	s10 =	sld [smem:$0x3FAF]  }
0x3d: {  	_ =	shalt  }
0x3e: {  	_ =	shalt  }
0x3f: {  	_ =	shalt  }
0x40: {  	_ =	shalt  }
0x41: {  	_ =	shalt  }
0x42: {  	_ =	shalt  }
0x43: {  	_ =	shalt  }
0x44: {  	_ =	shalt  }
0x45: {  	_ =	shalt  }
0x46: {  	_ =	shalt  }
0x47: {  	_ =	shalt  }
0x48: {  	_ =	shalt  }
0x49: {  	_ =	shalt  }
0x4a: {  	_ =	shalt  }
0x4b: {  	_ =	shalt  }
0x4c: {  	_ =	shalt  }
0x4d: {  	_ =	shalt  }
0x4e: {  	_ =	shalt  }
0x4f: {  	_ =	shalt  }
0x50: {  	_ =	shalt  }
0x51: {  	_ =	shalt  }
0x52: {  	_ =	shalt  }
0x53: {  	_ =	shalt  }
0x54: {  	_ =	shalt  }
0x55: {  	_ =	shalt  }
0x56: {  	_ =	shalt  }
0x57: {  	_ =	shalt  }
0x58: {  	_ =	shalt  }
0x59: {  	_ =	shalt  }
0x5a: {  	_ =	shalt  }
0x5b: {  	_ =	shalt  }
0x5c: {  	_ =	shalt  }
0x5d: {  	_ =	shalt  }
0x5e: {  	_ =	shalt  }
0x5f: {  	_ =	shalt  }
0x60: {  	_ =	shalt  }
0x61: {  	_ =	shalt  }
0x62: {  	_ =	shalt  }
0x63: {  	_ =	shalt  }
0x64: {  	_ =	shalt  }
0x65: {  	_ =	shalt  }
0x66: {  	_ =	shalt  }
0x67: {  	_ =	shalt  }
0x68: {  	_ =	shalt  }
0x69: {  	_ =	shalt  }
0x6a: {  	_ =	shalt  }
0x6b: {  	_ =	shalt  }
0x6c: {  	_ =	shalt  }
0x6d: {  	_ =	shalt  }
0x6e: {  	_ =	shalt  }
0x6f: {  	_ =	shalt  }
0x70: {  	_ =	shalt  }
0x71: {  	_ =	shalt  }
0x72: {  	_ =	shalt  }
0x73: {  	_ =	shalt  }
0x74: {  	_ =	shalt  }
0x75: {  	_ =	shalt  }
0x76: {  	_ =	shalt  }
0x77: {  	_ =	shalt  }
0x78: {  	_ =	shalt  }
0x79: {  	_ =	shalt  }
0x7a: {  	_ =	shalt  }
0x7b: {  	_ =	shalt  }
0x7c: {  	_ =	shalt  }
0x7d: {  	_ =	shalt  }
0x7e: {  	_ =	shalt  }
0x7f: {  	_ =	shalt  }
0x80: {  	_ =	shalt  }
0x81: {  	_ =	shalt  }
0x82: {  	_ =	shalt  }
0x83: {  	_ =	shalt  }
0x84: {  	_ =	shalt  }
0x85: {  	_ =	shalt  }
0x86: {  	_ =	shalt  }
0x87: {  	_ =	shalt  }
.Lfunc_end0:
.L_simem_size_0:
called_computation.1_lowered:
.L_overlay_start_0:
0x88: {  	s2 =	sld [smem:$0x3FD9]  }
0x89: {  	s3 =	sld [smem:$0x3FFE];
	_ =	sdelay $0x1  }
0x8a: {  	s1 =	srdreg.scid  }
0x8b: {  	s0 =	sand.u32 $0x1, s1  }
0x8c: {  	s17 =	sshll.u32 s0, $0xA;
	s2 =	sadd.s32 s3, s2  }
0x8d: {  	s2 =	sadd.s32 s2, s17  }
0x8e: {  	[smem:$0x3FBB] =	sst s2  }
0x8f: {  	_ = 	snop  }
0x90: {  	s18 =	sld [smem:$0x3FD0];
	(tm) =	ssettm $0x1  }
0x91: {  	s19 =	sld [smem:$0x3FFB];
	_ =	sdelay $0x3  }
0x92: {  	_ =	strace s19  }
0x93: {  	s2 =	sld [smem:$0x3FFC];
	_ =	sdelay $0x3  }
0x94: {  	_ =	strace s2  }
0x95: {  	s2 =	sld [smem:$0x3FFD];
	_ =	sdelay $0x3  }
0x96: {  	_ =	strace s2  }
0x97: {  	_ =	strace $0x8FFFFFFF  }
0x98: {  	s20 =	sld [smem:$0x3FDB];
	_ =	sdelay $0x1  }
0x99: {  	s4 =	simm.s32 $_scs_section_size  }
0x9a: {  	s5 =	simm.s32 $_size__tile_overlayer_lowered;
	s6 =	simm.s32 $_tile_overlayer_lowered  }
0x9b: {  	s7 =	simm.s32 $0x1BFF;
	s21 =	sshll.u32 s6, $0x1;
	s4 =	sadd.s32 s4, s20  }
0x9c: {  	s22 =	simm.s32 $0x0;
	s5 =	sshll.u32 s5, $0x1;
	s6 =	sadd.s32 s21, s4  }
0x9d: {  	[timem:s22], [sflag:s7] =	dma.local [hbm:s6], s5  }
0x9e: {  	_ =	swait.ge [sflag:s7], s5  }
0x9f: {  	s5 =	ssub.s32 $0x0, s5;
	[sflag:s7] =	ssyncset.done $0x0  }
0xa0: {  	[sflag:s7] =	ssyncadd.s32 s5;
	_ =	sdelay $0x1  }
0xa1: {  	s23 =	simm.s32 $0x1B8B  }
0xa2: {  	_ =	swait.ge [sflag:s23], $0x1  }
0xa3: {  	[sflag:s23] =	ssyncset.done $0x0  }
0xa4: {  	[sflag:s23] =	ssyncadd.s32 $0xFFFFFFFF  }
0xa5: {  	s5 =	sld [smem:$0x0]  }
0xa6: {  	s6 =	sand.u32 $0xFFFFFFFE, s1  }
0xa7: {  	p0 =	sne.s32 s1, s6  }
0xa8: {  	s6 =	sshll.u32 @p0 s6, $0xE  }
0xa9: {  	s6 =	sadd.s32 @p0 $0x11B8D, s6;
	s7 =	sshll.u32 @p0 s5, $0x11  }
0xaa: {  	s6 =	sor.u32 @p0 s7, s6  }
0xab: {  	[sflag:s6] =	ssyncadd.remote.s32 @p0 $0x1;
	_ =	sdelay $0x1  }
0xac: {  	s6 =	simm.s32 @p0 $0x1B8D  }
0xad: {  	_ =	swait.eq @p0 [sflag:s6], $0x1  }
0xae: {  	[sflag:s6] =	ssyncadd.s32 @p0 $0xFFFFFFFF  }
0xaf: {  	s7 =	sshll.u32 @!p0 s1, $0xE  }
0xb0: {  	s7 =	sor.u32 @!p0 $0x4000, s7;
	s6 =	simm.s32 @!p0 $0x1B8D  }
0xb1: {  	s5 =	sshll.u32 @!p0 s5, $0x11;
	s7 =	sadd.s32 @!p0 $0x11B8D, s7;
	_ =	swait.eq @!p0 [sflag:s6], $0x1  }
0xb2: {  	s5 =	sor.u32 @!p0 s5, s7;
	[sflag:s6] =	ssyncadd.s32 @!p0 $0xFFFFFFFF  }
0xb3: {  	s25 =	simm.s32 $0x1B8E;
	s24 =	sld [smem:$0x3FFE];
	[sflag:s5] =	ssyncadd.remote.s32 @!p0 $0x1  }
0xb4: {  	s26 =	simm.s32 $execute0_lowered;
	[smem:$0x3FD2] =	sst s25  }
0xb5: {  	s6 =	sshll.u32 s26, $0x1;
	_ =	strace $0x80000049;
	[dreg:$0x1] =	wrdreg $0xFFFFFFFF  }
0xb6: {  	s28 =	simm.s32 $_size_execute0_lowered;
	s4 =	sadd.s32 s4, s6;
	[dreg:$0x0] =	wrdreg $0x0  }
0xb7: {  	s6 =	sshll.u32 s28, $0x1;
	[dreg:$0x2] =	wrdreg s4  }
0xb8: {  	[dreg:$0x3] =	wrdreg s6  }
0xb9: {  	[dreg:$0x4] =	wrdreg $0xC0  }
0xba: {  	_ =	task [dreg:s22], $0x5FFFF  }
0xbb: {  	[dreg:$0x1] =	wrdreg $0xFFFFFFFF  }
0xbc: {  	[dreg:$0x0] =	wrdreg $0x60  }
0xbd: {  	[dreg:$0x2] =	wrdreg s18  }
0xbe: {  	[dreg:$0x3] =	wrdreg s24  }
0xbf: {  	[dreg:$0x4] =	wrdreg $0x82000  }
0xc0: {  	[dreg:$0x5] =	wrdreg $0xA  }
0xc1: {  	_ =	task.clear_ibuf [dreg:s22], $0x6FFFF;
	_ =	strace $0x90000049  }
0xc2: {  	s29 =	simm.s32 $0xA;
	_ =	strace $0x8000004B  }
0xc3: {  	_ =	swait.ge [sflag:s29], $0x1  }
0xc4: {  	[sflag:s29] =	ssyncadd.s32 $0xFFFFFFFF  }
0xc5: {  	_ =	strace $0x9000004B  }
0xc6: {  	_ =	sfence  }
0xc7: {  	s30 =	sld [smem:$0x0];
	_ =	sdelay $0x2  }
0xc8: {  	s31 =	sshll.u32 s1, $0xD;
	s1 =	sshrl.u32 s1, $0x2  }
0xc9: {  	s4 =	sand.u32 $0x4000, s31;
	s1 =	sadd.s32 s1, s30  }
0xca: {  	s0 =	sor.u32 s4, s0;
	s1 =	sshll.u32 s1, $0x11  }
0xcb: {  	s0 =	sor.u32 s1, s0  }
0xcc: {  	s0 =	sadd.s32 $0x8F2B, s0  }
0xcd: {  	[sflag:s0] =	ssyncadd.remote.s32 $0x1  }
0xce: {  	_ =	sfence.sel $0xFFFF  }
0xcf: {  	[dreg:$0x0] =	wrdreg $0xFFFFFFFF;
	(pc) =	sbr.abs _section_cstart, $3  }
0xd0: {  	[dreg:$0x1] =	wrdreg $0xFFFFFFFF  }
0xd1: {  	_ =	task.clear_ibuf [dreg:s22], $0x2FFFF;
	_ =	strace $0x9FFFFFFF  }
0xd2: {  	(tm) =	ssettm $0x7FFFFFFF  }
0xd3: {  	_ =	shalt  }
tec
execute0_lowered:
.L_overlay_start_1:
0x0: {  	(tag) =	ssettag $0x1  }
0x1: {  	s1 =	rddreg [dreg:$0x0]  }
0x2: {  	s0 =	rddreg [dreg:$0x1]  }
0x3: {  	s3 =	rddreg [dreg:$0x2]  }
0x4: {  	s4 =	simm.s32 $0x0;
	s2 =	srdreg.scid;
	s12 =	stileid.u32  }
0x5: {  	s28 =	simm.s32 $0x80;
	s29 =	simm.s32 $0x5;
	s30 =	simm.s32 $0x4  }
0x6: {  	s31 =	simm.s32 $0x2;
	[smem:$0x7FF] =	sst s4;
	s7 =	smul.u32 $0x2780, s12  }
0x7: {  	s2 =	sand.u32 $0x1, s2;
	s5 =	sadd.s32 $0x16E00, s0;
	s9 =	smul.u32 $0xB0, s12  }
0x8: {  	s6 =	sadd.s32 $0x4F8E00, s0;
	s10 =	sadd.s32 $0x3E200, s0;
	s18 =	smul.u32 $0x8A, s12  }
0x9: {  	s20 =	smul.u32 $0x4F000, s12;
	s23 =	sshll.u32 s12, $0x6;
	_ =	strace $0x8000004A  }
0xa: {  	s8 =	smul.u32 $0x27800, s2;
	[dreg:$0x4] =	wrdreg s10;
	s19 =	ssub.s32 $0x2, s2  }
0xb: {  	p0 =	seq.s32 s2, $0x0;
	s10 =	sor.u32 $0x1C07, s23;
	s23 =	simm.s32 $0x2200  }
0xc: {  	s2 =	simm.s32 $0x6;
	s11 =	sshrl.u32 s19, $0x1;
	s22 =	sshrl.u32 s20, $0x2  }
0xd: {  	s20 =	simm.s32 $0x40;
	s7 =	sadd.s32 s7, s8;
	s8 =	sadd.s32 $0xB00, s18  }
0xe: {  	s21 =	ssub.s32 s19, s11;
	s18 =	simm.s32 $0x7;
	s19 =	simm.s32 $0x0  }
0xf: {  	s0 =	sadd.s32 s7, s0;
	s8 =	smov.u32 @p0 s9;
	s7 =	sadd.s32 s22, s3  }
0x10: {  	s9 =	simm.s32 $0x58;
	s26 =	smax.u32 s21, $0x1;
	s21 =	simm.s32 $0x4200  }
0x11: {  	s22 =	simm.s32 $0x100;
	s9 =	simm.s32 @!p0 $0x45;
	s24 =	sshll.u32 s8, $0x5  }
0x12: {  	s25 =	sshll.u32 s8, $0xA;
	s14 =	sadd.s32 $0x2, s8;
	s0 =	sadd.s32 $0x40A00, s0  }
0x13: {  	[dreg:$0x8] =	wrdreg s26;
	s17 =	sshrl.u32 s7, $0x3;
	s26 =	simm.s32 $0x1  }
0x14: {  	s11 =	sadd.s32 $0xFFFFFFFF, s9;
	s12 =	sadd.s32 s5, s24;
	[dreg:$0x7] =	wrdreg s0  }
0x15: {  	s24 =	simm.s32 $0x6200;
	[dreg:$0x5] =	wrdreg s12;
	s12 =	sadd.s32 s6, s25  }
0x16: {  	s0 =	simm.s32 $0x180;
	s25 =	simm.s32 $0x3;
	[dreg:$0x6] =	wrdreg s12  }
.LBB2_1:
0x17: {  	s7 =	rddreg [dreg:$0x4]  }
0x18: {  	[spmem:s17], [sflag:s10] =	dma.local [hbm:s7], $0x2780  }
0x19: {  	_ =	swait.ge [sflag:s18], $0x2780  }
0x1a: {  	[sflag:s18] =	ssyncset.done $0x0  }
0x1b: {  	[sflag:s18] =	ssyncadd.s32 $0xFFFFD880  }
0x1c: {  	[bflag:$0x0] =	sbarrier.arrive $0xFFFF  }
0x1d: {  	s15 =	rddreg [dreg:$0x5]  }
0x1e: {  	[tilespmem:s4], [sflag:$0x7] =	stream.linear.gather [hbm4b:s15+s4], $0x100, $0x38;
	[tilespmem:$0x1BE00] =	vst v63  }
0x1f: {  	_ =	swait.ge [sflag:s18], $0x100  }
0x20: {  	[sflag:s18] =	ssyncset.done $0x0  }
0x21: {  	s12 =	simm.s32 $0x200;
	s16 =	rddreg [dreg:$0x6];
	[sflag:s18] =	ssyncadd.s32 $0xFFFFFF00  }
0x22: {  	[tilespmem:s12], [sflag:$0x3] =	stream.linear.gather [hbm4b:s16+s4], $0x2000, $0x38;
	[tilespmem:$0x1BE00] =	vst v63  }
0x23: {  	s7 =	simm.s32 $0x0  }
0x24: {  	[tilespmem:s21], [sflag:$0x1] =	stream.indirect.gather [hbm4b:s1+s20], $0x80, s4, s20, $0xb8;
	[tilespmem:$0x1BE00] =	vst v63  }
.LBB2_2:
0x25: {  	p0 =	seq.s32 s7, $0x0;
	s12 =	sshll.u32 s7, $0x1  }
0x26: {  	s13 =	simm.s32 @!p0 $0x6;
	s15 =	sadd.s32 s12, s8  }
0x27: {  	_ =	swait.ge @!p0 [sflag:s13], $0x2000;
	s15 =	sadd.s32 $0x1, s15  }
0x28: {  	[sflag:s13] =	ssyncset.done @!p0 $0x0;
	s16 =	sshll.u32 s15, $0x5  }
0x29: {  	[sflag:s13] =	ssyncadd.s32 @!p0 $0xFFFFE000;
	s13 =	sadd.s32 s5, s16;
	s16 =	simm.s32 $0x0  }
0x2a: {  	[tilespmem:s22], [sflag:$0x7] =	stream.linear.gather [hbm4b:s13+s16], $0x100, $0x38;
	[tilespmem:$0x1BE00] =	vst v63  }
0x2b: {  	_ =	swait.ge [sflag:s18], $0x100  }
0x2c: {  	s15 =	sshll.u32 s15, $0xA;
	[sflag:s18] =	ssyncset.done $0x0  }
0x2d: {  	s13 =	sadd.s32 s6, s15;
	[sflag:s18] =	ssyncadd.s32 $0xFFFFFF00  }
0x2e: {  	[tilespmem:s23], [sflag:$0x4] =	stream.linear.gather [hbm4b:s13+s16], $0x2000, $0x38;
	[tilespmem:$0x1BE00] =	vst v63  }
0x2f: {  	_ = 	snop  }
0x30: {  	[tilespmem:s24], [sflag:$0x2] =	stream.indirect.gather [hbm4b:s1+s20], $0x80, s22, s20, $0xb8;
	[tilespmem:$0x1BE00] =	vst v63  }
0x31: {  	_ =	swait.ge [sflag:s25], $0x2000  }
0x32: {  	[sflag:s25] =	ssyncset.done $0x0  }
0x33: {  	[sflag:s25] =	ssyncadd.s32 $0xFFFFE000  }
0x34: {  	_ =	swait.ge [sflag:s26], $0x2000  }
0x35: {  	[sflag:s26] =	ssyncset.done $0x0  }
0x36: {  	s13 =	simm.s32 $0x0;
	[sflag:s26] =	ssyncadd.s32 $0xFFFFE000  }
0x37: {  	v7 =	vld [tilespmem:s13+$0x200]  }
0x38: {  	v11 =	vld [tilespmem:s13+$0x210]  }
0x39: {  	v5 =	vld [tilespmem:s13+$0x220]  }
0x3a: {  	v4 =	vld [tilespmem:s13+$0x230]  }
0x3b: {  	v3 =	vld [tilespmem:s13+$0x240]  }
0x3c: {  	v2 =	vld [tilespmem:s13+$0x250]  }
0x3d: {  	v1 =	vld [tilespmem:s13+$0x260]  }
0x3e: {  	v0 =	vld [tilespmem:s13+$0x270]  }
0x3f: {  	v12 =	vld [tilespmem:s13+$0x4200]  }
0x40: {  	v13 =	vld [tilespmem:s13+$0x4210]  }
0x41: {  	v10 =	vld [tilespmem:s13+$0x4220]  }
0x42: {  	v9 =	vld [tilespmem:s13+$0x4230]  }
0x43: {  	v8 =	vld [tilespmem:s13+$0x4240]  }
0x44: {  	v6 =	vld [tilespmem:s13+$0x4250];
	v12 =	vmul.f32 v7, v12  }
0x45: {  	s15 =	simm.s32 $0x200;
	v11 =	vmul.f32 v11, v13;
	v7 =	vld [tilespmem:s13+$0x4260]  }
.LBB2_3:
0x46: {  	s16 =	sshra.s32 s15, $0x2;
	p0 =	sne.s32 s15, $0x7E00;
	[tilespmem:s13+$0x4200] =	vst v12;
	v5 =	vmul.f32 v5, v10;
	v10 =	vld [tilespmem:s13+$0x4270]  }
0x47: {  	v12 =	vld [tilespmem:s16+$0x200];
	[tilespmem:s13+$0x4210] =	vst v11;
	v4 =	vmul.f32 v4, v9  }
0x48: {  	v11 =	vld [tilespmem:s16+$0x210];
	[tilespmem:s13+$0x4220] =	vst v5;
	v3 =	vmul.f32 v3, v8  }
0x49: {  	v5 =	vld [tilespmem:s16+$0x220];
	[tilespmem:s13+$0x4230] =	vst v4;
	v2 =	vmul.f32 v2, v6  }
0x4a: {  	v4 =	vld [tilespmem:s16+$0x230];
	[tilespmem:s13+$0x4240] =	vst v3;
	v1 =	vmul.f32 v1, v7  }
0x4b: {  	v3 =	vld [tilespmem:s16+$0x240];
	[tilespmem:s13+$0x4250] =	vst v2;
	v0 =	vmul.f32 v0, v10  }
0x4c: {  	v2 =	vld [tilespmem:s16+$0x250];
	[tilespmem:s13+$0x4260] =	vst v1  }
0x4d: {  	v1 =	vld [tilespmem:s16+$0x260];
	[tilespmem:s13+$0x4270] =	vst v0;
	s13 =	smov.u32 s16  }
0x4e: {  	v0 =	vld [tilespmem:s13+$0x270]  }
0x4f: {  	v6 =	vld [tilespmem:s13+$0x4200]  }
0x50: {  	v7 =	vld [tilespmem:s13+$0x4210]  }
.Ltmp0:
0x51: {  	v10 =	vld [tilespmem:s13+$0x4220];
	(pc) =	sbr.rel @p0 .LBB2_3-.Ltmp0, $4  }
0x52: {  	v9 =	vld [tilespmem:s13+$0x4230]  }
0x53: {  	v8 =	vld [tilespmem:s13+$0x4240]  }
0x54: {  	v12 =	vmul.f32 v12, v6;
	v6 =	vld [tilespmem:s13+$0x4250]  }
0x55: {  	s15 =	sadd.s32 $0x200, s15;
	v11 =	vmul.f32 v11, v7;
	v7 =	vld [tilespmem:s13+$0x4260]  }
0x56: {  	[tilespmem:s13+$0x4200] =	vst v12;
	v5 =	vmul.f32 v5, v10;
	v10 =	vld [tilespmem:s13+$0x4270]  }
0x57: {  	[tilespmem:s13+$0x4210] =	vst v11;
	v4 =	vmul.f32 v4, v9  }
0x58: {  	[tilespmem:s13+$0x4220] =	vst v5;
	v3 =	vmul.f32 v3, v8  }
0x59: {  	[tilespmem:s13+$0x4230] =	vst v4;
	v2 =	vmul.f32 v2, v6  }
0x5a: {  	[tilespmem:s13+$0x4240] =	vst v3;
	v1 =	vmul.f32 v1, v7  }
0x5b: {  	[tilespmem:s13+$0x4250] =	vst v2;
	v0 =	vmul.f32 v0, v10  }
0x5c: {  	[tilespmem:s13+$0x4260] =	vst v1  }
0x5d: {  	p0 =	sge.u32 s7, s11;
	[tilespmem:s13+$0x4270] =	vst v0  }
0x5e: {  	[spmem:s3] =	stream.indirect.scatter.add.f32 [tilespmem:s21], [sflag:$0x5], $0x80, s28, s20, $0xb8;
	[tilespmem:$0x1BE00] =	vst v63  }
0x5f: {  	s12 =	sadd.s32 @!p0 s12, s14;
	_ =	swait.ge [sflag:s29], $0x2000  }
0x60: {  	s13 =	sshll.u32 @!p0 s12, $0x5;
	[sflag:s29] =	ssyncset.done $0x0  }
0x61: {  	s15 =	simm.s32 @!p0 $0x0;
	s13 =	sadd.s32 @!p0 s5, s13;
	[sflag:s29] =	ssyncadd.s32 $0xFFFFE000  }
0x62: {  	[tilespmem:s15], [sflag:$0x7] =	stream.linear.gather @!p0 [hbm4b:s13+s15], $0x100, $0x38;
	[tilespmem:$0x1BE00] =	vst v63  }
0x63: {  	s13 =	simm.s32 @!p0 $0x7  }
0x64: {  	_ =	swait.ge @!p0 [sflag:s13], $0x100  }
0x65: {  	s12 =	sshll.u32 @!p0 s12, $0xA;
	[sflag:s13] =	ssyncset.done @!p0 $0x0  }
0x66: {  	s12 =	sadd.s32 @!p0 s6, s12;
	[sflag:s13] =	ssyncadd.s32 @!p0 $0xFFFFFF00;
	s13 =	simm.s32 @!p0 $0x200  }
0x67: {  	[tilespmem:s13], [sflag:$0x3] =	stream.linear.gather @!p0 [hbm4b:s12+s15], $0x2000, $0x38;
	[tilespmem:$0x1BE00] =	vst v63  }
0x68: {  	s12 =	simm.s32 @!p0 $0x40;
	s13 =	simm.s32 @!p0 $0x4200  }
0x69: {  	[tilespmem:s13], [sflag:$0x1] =	stream.indirect.gather @!p0 [hbm4b:s1+s12], $0x80, s15, s12, $0xb8;
	[tilespmem:$0x1BE00] =	vst v63  }
0x6a: {  	_ =	swait.ge [sflag:s30], $0x2000  }
0x6b: {  	[sflag:s30] =	ssyncset.done $0x0  }
0x6c: {  	[sflag:s30] =	ssyncadd.s32 $0xFFFFE000  }
0x6d: {  	_ =	swait.ge [sflag:s31], $0x2000  }
0x6e: {  	[sflag:s31] =	ssyncset.done $0x0  }
0x6f: {  	s12 =	simm.s32 $0x0;
	[sflag:s31] =	ssyncadd.s32 $0xFFFFE000  }
0x70: {  	v7 =	vld [tilespmem:s12+$0x2200]  }
0x71: {  	v11 =	vld [tilespmem:s12+$0x2210]  }
0x72: {  	v5 =	vld [tilespmem:s12+$0x2220]  }
0x73: {  	v4 =	vld [tilespmem:s12+$0x2230]  }
0x74: {  	v3 =	vld [tilespmem:s12+$0x2240]  }
0x75: {  	v2 =	vld [tilespmem:s12+$0x2250]  }
0x76: {  	v1 =	vld [tilespmem:s12+$0x2260]  }
0x77: {  	v0 =	vld [tilespmem:s12+$0x2270]  }
0x78: {  	v12 =	vld [tilespmem:s12+$0x6200]  }
0x79: {  	v13 =	vld [tilespmem:s12+$0x6210]  }
0x7a: {  	v10 =	vld [tilespmem:s12+$0x6220]  }
0x7b: {  	v9 =	vld [tilespmem:s12+$0x6230]  }
0x7c: {  	v8 =	vld [tilespmem:s12+$0x6240]  }
0x7d: {  	v6 =	vld [tilespmem:s12+$0x6250];
	v12 =	vmul.f32 v7, v12  }
0x7e: {  	s13 =	simm.s32 $0x200;
	v11 =	vmul.f32 v11, v13;
	v7 =	vld [tilespmem:s12+$0x6260]  }
.LBB2_5:
0x7f: {  	s15 =	sshra.s32 s13, $0x2;
	p0 =	sne.s32 s13, $0x7E00;
	[tilespmem:s12+$0x6200] =	vst v12;
	v5 =	vmul.f32 v5, v10;
	v10 =	vld [tilespmem:s12+$0x6270]  }
0x80: {  	v12 =	vld [tilespmem:s15+$0x2200];
	[tilespmem:s12+$0x6210] =	vst v11;
	v4 =	vmul.f32 v4, v9  }
0x81: {  	v11 =	vld [tilespmem:s15+$0x2210];
	[tilespmem:s12+$0x6220] =	vst v5;
	v3 =	vmul.f32 v3, v8  }
0x82: {  	v5 =	vld [tilespmem:s15+$0x2220];
	[tilespmem:s12+$0x6230] =	vst v4;
	v2 =	vmul.f32 v2, v6  }
0x83: {  	v4 =	vld [tilespmem:s15+$0x2230];
	[tilespmem:s12+$0x6240] =	vst v3;
	v1 =	vmul.f32 v1, v7  }
0x84: {  	v3 =	vld [tilespmem:s15+$0x2240];
	[tilespmem:s12+$0x6250] =	vst v2;
	v0 =	vmul.f32 v0, v10  }
0x85: {  	v2 =	vld [tilespmem:s15+$0x2250];
	[tilespmem:s12+$0x6260] =	vst v1  }
0x86: {  	v1 =	vld [tilespmem:s15+$0x2260];
	[tilespmem:s12+$0x6270] =	vst v0;
	s12 =	smov.u32 s15  }
0x87: {  	v0 =	vld [tilespmem:s12+$0x2270]  }
0x88: {  	v6 =	vld [tilespmem:s12+$0x6200]  }
0x89: {  	v7 =	vld [tilespmem:s12+$0x6210]  }
.Ltmp1:
0x8a: {  	v10 =	vld [tilespmem:s12+$0x6220];
	(pc) =	sbr.rel @p0 .LBB2_5-.Ltmp1, $4  }
0x8b: {  	v9 =	vld [tilespmem:s12+$0x6230]  }
0x8c: {  	v8 =	vld [tilespmem:s12+$0x6240]  }
0x8d: {  	v12 =	vmul.f32 v12, v6;
	v6 =	vld [tilespmem:s12+$0x6250]  }
0x8e: {  	s13 =	sadd.s32 $0x200, s13;
	v11 =	vmul.f32 v11, v7;
	v7 =	vld [tilespmem:s12+$0x6260]  }
0x8f: {  	[tilespmem:s12+$0x6200] =	vst v12;
	v5 =	vmul.f32 v5, v10;
	v63 =	vld [tilespmem:s12+$0x6270]  }
0x90: {  	[tilespmem:s12+$0x6210] =	vst v11;
	v4 =	vmul.f32 v4, v9  }
0x91: {  	s7 =	sadd.s32 $0x1, s7;
	[tilespmem:s12+$0x6220] =	vst v5;
	v3 =	vmul.f32 v3, v8  }
0x92: {  	p0 =	sne.s32 s7, s9;
	[tilespmem:s12+$0x6230] =	vst v4;
	v2 =	vmul.f32 v2, v6  }
.Ltmp2:
0x93: {  	[tilespmem:s12+$0x6240] =	vst v3;
	v1 =	vmul.f32 v1, v7;
	(pc) =	sbr.rel @p0 .LBB2_2-.Ltmp2, $4  }
0x94: {  	[tilespmem:s12+$0x6250] =	vst v2;
	v0 =	vmul.f32 v0, v63  }
0x95: {  	[tilespmem:s12+$0x6260] =	vst v1  }
0x96: {  	[tilespmem:s12+$0x6270] =	vst v0  }
0x97: {  	[spmem:s3] =	stream.indirect.scatter.add.f32 [tilespmem:s24], [sflag:$0x6], $0x80, s0, s20, $0xb8;
	[tilespmem:$0x1BE00] =	vst v63  }
0x98: {  	_ =	swait.ge [sflag:s2], $0x2000  }
0x99: {  	[sflag:s2] =	ssyncset.done $0x0  }
0x9a: {  	[sflag:s2] =	ssyncadd.s32 $0xFFFFE000  }
0x9b: {  	[bflag:$0x0] =	sbarrier.arrive $0xFFFF  }
0x9c: {  	s7 =	rddreg [dreg:$0x7]  }
0x9d: {  	[hbm:s7], [sflag:s10] =	dma.local [spmem:s17], $0x2780  }
0x9e: {  	_ =	swait.ge [sflag:s18], $0x2780  }
0x9f: {  	s19 =	sadd.s32 $0x1, s19;
	s16 =	rddreg [dreg:$0x8]  }
0xa0: {  	p0 =	sne.s32 s19, s16  }
.Ltmp3:
0xa1: {  	_ = 	snop;
	(pc) =	sbr.rel @p0 .LBB2_1-.Ltmp3, $3  }
0xa2: {  	_ =	sdelay $0x1  }
0xa3: {  	[sflag:s18] =	ssyncset.done $0x0  }
0xa4: {  	[sflag:s18] =	ssyncadd.s32 $0xFFFFD880  }
0xa5: {  	_ =	sfence.sel $0x180000  }
0xa6: {  	[bflag:$0x0] =	sbarrier.arrive $0xFFFF  }
0xa7: {  	_ =	strace $0x9000004A  }
0xa8: {  	s0 =	stileid.u32;
	[bflag:$0x2] =	sbarrier.arrive $0xFFFF  }
0xa9: {  	p0 =	sne.s32 s0, $0x0;
	s0 =	rddreg [dreg:$0x3]  }
0xaa: {  	s0 =	sadd.s32 @!p0 $0x100000, s0  }
0xab: {  	[sflag:s0] =	ssyncadd.tile.s32 @!p0 $0x1;
	_ =	shalt  }
.Lfunc_end2:
_tile_overlayer_lowered:
.L_overlay_start_2:
0xac: {  	(tag) =	ssettag $0x2  }
0xad: {  	s0 =	rddreg [dreg:$0x0];
	s2 =	stileid.u32  }
0xae: {  	s1 =	rddreg [dreg:$0x1];
	p0 =	sne.s32 s2, $0x0  }
0xaf: {  	s3 =	rddreg [dreg:$0x2];
	[bflag:$0x3] =	sbarrier.arrive $0xFFFF;
	s2 =	simm.s32 @!p0 $0x1C07  }
0xb0: {  	[timem:s3], [sflag:s2] =	dma.local @!p0 [hbm:s0], s1  }
0xb1: {  	s0 =	simm.s32 @!p0 $0x7  }
0xb2: {  	_ =	swait.ge @!p0 [sflag:s0], s1  }
0xb3: {  	s1 =	ssub.s32 @!p0 $0x0, s1;
	[sflag:s0] =	ssyncset.done @!p0 $0x0  }
0xb4: {  	[sflag:s0] =	ssyncadd.s32 @!p0 s1  }
0xb5: {  	[bflag:$0x3] =	sbarrier.arrive $0xFFFF  }
0xb6: {  	_ =	shalt  }

// kernel: kernel.7.cloned.1.call-start
scs
__scs_entry_jumppad:
0x0: {  	(pc) =	sbr.rel $0x88, $3  }
0x1: {  	(tag) =	ssettag $0x0;
	lr =	simm.s32 $0x1  }
0x2: {  	[smem:$0x3F94] =	sst lr;
	_ =	strace $0xD0000000  }
0x3: {  	_ = 	snop  }
0x4: {  	_ = 	snop  }
0x5: {  	_ = 	snop  }
0x6: {  	_ = 	snop  }
0x7: {  	_ = 	snop  }
__scs_overlays_trampoline_lowered:
0x8: {  	[smem:$0x3FA3] =	sst s0  }
0x9: {  	[smem:$0x3FA4] =	sst s1  }
0xa: {  	[smem:$0x3FA5] =	sst s2  }
0xb: {  	[smem:$0x3FA6] =	sst s3  }
0xc: {  	[smem:$0x3FA7] =	sst s4  }
0xd: {  	[smem:$0x3FA8] =	sst s5  }
0xe: {  	[smem:$0x3FA9] =	sst s6  }
0xf: {  	[smem:$0x3FAA] =	sst s7  }
0x10: {  	[smem:$0x3FAB] =	sst s8  }
0x11: {  	[smem:$0x3FAC] =	sst s9;
	s0 =	simm.s32 @!p0 $0x0  }
0x12: {  	s1 =	sld [smem:$0x3F92];
	s0 =	simm.s32 @p0 $0x1  }
0x13: {  	[smem:$0x3FAD] =	sst s0;
	s0 =	simm.s32 @!p1 $0x0  }
0x14: {  	s2 =	sld [smem:$0x3F91];
	s0 =	simm.s32 @p1 $0x1  }
0x15: {  	[smem:$0x3FAE] =	sst s0;
	s0 =	simm.s32 @!p2 $0x0  }
0x16: {  	s3 =	sld [smem:$0x3FDB];
	s0 =	simm.s32 @p2 $0x1  }
0x17: {  	s4 =	simm.s32 $0x1BF5;
	[smem:$0x3FB0] =	sst s0  }
0x18: {  	s0 =	sld [smem:$0x3F93];
	_ =	swait.ge [sflag:s4], $0x0  }
0x19: {  	s7 =	sld [smem:$0x3F94]  }
0x1a: {  	s8 =	sadd.s32 $0xFFFFE003, lr  }
0x1b: {  	s9 =	sadd.s32 $0xFFFFFEF7, lr;
	s5 =	simm.s32 $0xFFFFFFFF;
	p2 =	slt.u32 s8, $0xFFFFF086  }
0x1c: {  	p1 =	slt.u32 s9, $0xF7A;
	s5 =	simm.s32 @!p2 $0x0  }
0x1d: {  	s5 =	simm.s32 @p1 $0x1;
	p0 =	seq.s32 s7, s2  }
0x1e: {  	s7 =	smul.u32 @!p0 $0xF7A, s2;
	p2 =	seq.s32 @!p0 s5, $0x0  }
0x1f: {  	s9 =	smul.u32 $0xF7A, s1;
	s8 =	simm.s32 @!p0 $0x1BF5;
	p2 =	por !p2, p0  }
0x20: {  	[sflag:s8] =	ssyncset.s32 @!p0 $0xFFFFF086;
	s6 =	sadd.s32 @!p0 s3, s7;
	s7 =	simm.s32 @!p0 $0x108  }
0x21: {  	s3 =	sadd.s32 s3, s9;
	s6 =	sadd.s32 @!p0 $0x88, s6;
	s7 =	simm.s32 @p2 $0x1082  }
0x22: {  	[simem:s7], [sflag:s8] =	dma.local @!p0 [hbm:s6], $0xF7A  }
0x23: {  	s9 =	sor.u32 $0xD0000000, s2;
	s6 =	simm.s32 $0x108;
	_ =	swait.ge @!p0 [sflag:s8], $0x0  }
0x24: {  	s3 =	sadd.s32 $0x88, s3;
	s6 =	simm.s32 @!p1 $0x1082;
	[sflag:s4] =	ssyncset.s32 $0xFFFFF086  }
0x25: {  	[simem:s6], [sflag:s4] =	dma.local [hbm:s3], $0xF7A  }
0x26: {  	[smem:$0x3F94] =	sst s1;
	(tag) =	ssettag s2;
	_ =	strace s9  }
0x27: {  	s1 =	sld [smem:$0x3FA4]  }
0x28: {  	s2 =	sld [smem:$0x3FA5]  }
0x29: {  	s4 =	sld [smem:$0x3FA7]  }
0x2a: {  	p0 =	seq.s32 s5, $0x0;
	s5 =	sld [smem:$0x3FA8]  }
0x2b: {  	s6 =	sld [smem:$0x3FA9]  }
0x2c: {  	s7 =	sld [smem:$0x3FAA]  }
0x2d: {  	s3 =	simm.s32 $0x108;
	s8 =	sld [smem:$0x3FAB]  }
0x2e: {  	s3 =	simm.s32 @!p0 $0x1082;
	s9 =	sld [smem:$0x3FAC]  }
0x2f: {  	lr =	sadd.s32 s0, s3;
	s0 =	sld [smem:$0x3FA3]  }
0x30: {  	s3 =	sld [smem:$0x3FA6]  }
0x31: {  	[smem:$0x3FAF] =	sst s10  }
0x32: {  	s10 =	sld [smem:$0x3FAD];
	_ =	sdelay $0x3  }
0x33: {  	p0 =	seq.s32 s10, $0x1;
	s10 =	sld [smem:$0x3FAF];
	_ =	sdelay $0x3  }
0x34: {  	[smem:$0x3FAF] =	sst s10  }
0x35: {  	s10 =	sld [smem:$0x3FAE];
	_ =	sdelay $0x3  }
0x36: {  	p1 =	seq.s32 s10, $0x1;
	s10 =	sld [smem:$0x3FAF];
	_ =	sdelay $0x3  }
0x37: {  	[smem:$0x3FAF] =	sst s10  }
0x38: {  	s10 =	sld [smem:$0x3FB0]  }
0x39: {  	_ = 	snop;
	(pc) =	sbr.ind lr, $3  }
0x3a: {  	_ = 	snop  }
0x3b: {  	_ = 	snop  }
0x3c: {  	p2 =	seq.s32 s10, $0x1;
	s10 =	sld [smem:$0x3FAF]  }
0x3d: {  	_ =	shalt  }
0x3e: {  	_ =	shalt  }
0x3f: {  	_ =	shalt  }
0x40: {  	_ =	shalt  }
0x41: {  	_ =	shalt  }
0x42: {  	_ =	shalt  }
0x43: {  	_ =	shalt  }
0x44: {  	_ =	shalt  }
0x45: {  	_ =	shalt  }
0x46: {  	_ =	shalt  }
0x47: {  	_ =	shalt  }
0x48: {  	_ =	shalt  }
0x49: {  	_ =	shalt  }
0x4a: {  	_ =	shalt  }
0x4b: {  	_ =	shalt  }
0x4c: {  	_ =	shalt  }
0x4d: {  	_ =	shalt  }
0x4e: {  	_ =	shalt  }
0x4f: {  	_ =	shalt  }
0x50: {  	_ =	shalt  }
0x51: {  	_ =	shalt  }
0x52: {  	_ =	shalt  }
0x53: {  	_ =	shalt  }
0x54: {  	_ =	shalt  }
0x55: {  	_ =	shalt  }
0x56: {  	_ =	shalt  }
0x57: {  	_ =	shalt  }
0x58: {  	_ =	shalt  }
0x59: {  	_ =	shalt  }
0x5a: {  	_ =	shalt  }
0x5b: {  	_ =	shalt  }
0x5c: {  	_ =	shalt  }
0x5d: {  	_ =	shalt  }
0x5e: {  	_ =	shalt  }
0x5f: {  	_ =	shalt  }
0x60: {  	_ =	shalt  }
0x61: {  	_ =	shalt  }
0x62: {  	_ =	shalt  }
0x63: {  	_ =	shalt  }
0x64: {  	_ =	shalt  }
0x65: {  	_ =	shalt  }
0x66: {  	_ =	shalt  }
0x67: {  	_ =	shalt  }
0x68: {  	_ =	shalt  }
0x69: {  	_ =	shalt  }
0x6a: {  	_ =	shalt  }
0x6b: {  	_ =	shalt  }
0x6c: {  	_ =	shalt  }
0x6d: {  	_ =	shalt  }
0x6e: {  	_ =	shalt  }
0x6f: {  	_ =	shalt  }
0x70: {  	_ =	shalt  }
0x71: {  	_ =	shalt  }
0x72: {  	_ =	shalt  }
0x73: {  	_ =	shalt  }
0x74: {  	_ =	shalt  }
0x75: {  	_ =	shalt  }
0x76: {  	_ =	shalt  }
0x77: {  	_ =	shalt  }
0x78: {  	_ =	shalt  }
0x79: {  	_ =	shalt  }
0x7a: {  	_ =	shalt  }
0x7b: {  	_ =	shalt  }
0x7c: {  	_ =	shalt  }
0x7d: {  	_ =	shalt  }
0x7e: {  	_ =	shalt  }
0x7f: {  	_ =	shalt  }
0x80: {  	_ =	shalt  }
0x81: {  	_ =	shalt  }
0x82: {  	_ =	shalt  }
0x83: {  	_ =	shalt  }
0x84: {  	_ =	shalt  }
0x85: {  	_ =	shalt  }
0x86: {  	_ =	shalt  }
0x87: {  	_ =	shalt  }
.Lfunc_end0:
.L_simem_size_0:
called_computation_lowered:
.L_overlay_start_0:
0x88: {  	s2 =	sld [smem:$0x3FD9]  }
0x89: {  	s3 =	sld [smem:$0x3FFE];
	_ =	sdelay $0x1  }
0x8a: {  	s1 =	srdreg.scid  }
0x8b: {  	s0 =	sand.u32 $0x1, s1  }
0x8c: {  	s16 =	sshll.u32 s0, $0xA;
	s2 =	sadd.s32 s3, s2  }
0x8d: {  	s2 =	sadd.s32 s2, s16  }
0x8e: {  	[smem:$0x3FBB] =	sst s2  }
0x8f: {  	_ = 	snop  }
0x90: {  	(tm) =	ssettm $0x1  }
0x91: {  	s17 =	sld [smem:$0x3FFB];
	_ =	sdelay $0x3  }
0x92: {  	_ =	strace s17  }
0x93: {  	s2 =	sld [smem:$0x3FFC];
	_ =	sdelay $0x3  }
0x94: {  	_ =	strace s2  }
0x95: {  	s2 =	sld [smem:$0x3FFD];
	_ =	sdelay $0x3  }
0x96: {  	_ =	strace s2  }
0x97: {  	_ =	strace $0x8FFFFFFF  }
0x98: {  	s18 =	sld [smem:$0x3FDB];
	_ =	sdelay $0x1  }
0x99: {  	s19 =	simm.s32 $_scs_section_size  }
0x9a: {  	s4 =	simm.s32 $_size__tile_overlayer_lowered;
	s5 =	simm.s32 $_tile_overlayer_lowered  }
0x9b: {  	s22 =	simm.s32 $0x1BFF;
	s21 =	sshll.u32 s5, $0x1;
	s2 =	sadd.s32 s19, s18  }
0x9c: {  	s6 =	simm.s32 $0x0;
	s20 =	sshll.u32 s4, $0x1;
	s4 =	sadd.s32 s21, s2  }
0x9d: {  	[timem:s6], [sflag:s22] =	dma.local [hbm:s4], s20  }
0x9e: {  	_ =	swait.ge [sflag:s22], s20  }
0x9f: {  	s3 =	ssub.s32 $0x0, s20;
	[sflag:s22] =	ssyncset.done $0x0  }
0xa0: {  	[sflag:s22] =	ssyncadd.s32 s3;
	_ =	sdelay $0x1  }
0xa1: {  	s23 =	simm.s32 $0x1B8B  }
0xa2: {  	_ =	swait.ge [sflag:s23], $0x1  }
0xa3: {  	[sflag:s23] =	ssyncset.done $0x0  }
0xa4: {  	s25 =	simm.s32 $0x1B8E;
	s24 =	sld [smem:$0x3FFE];
	[sflag:s23] =	ssyncadd.s32 $0xFFFFFFFF  }
0xa5: {  	s26 =	simm.s32 $execute0_lowered;
	[smem:$0x3FD2] =	sst s25  }
0xa6: {  	s4 =	sshll.u32 s26, $0x1;
	_ =	strace $0x80000046;
	[dreg:$0x1] =	wrdreg $0xFFFFFFFF  }
0xa7: {  	s28 =	simm.s32 $_size_execute0_lowered;
	s2 =	sadd.s32 s2, s4;
	[dreg:$0x0] =	wrdreg $0x0  }
0xa8: {  	s4 =	sshll.u32 s28, $0x1;
	[dreg:$0x2] =	wrdreg s2  }
0xa9: {  	[dreg:$0x3] =	wrdreg s4  }
0xaa: {  	[dreg:$0x4] =	wrdreg $0xC0  }
0xab: {  	_ =	task [dreg:s6], $0x5FFFF  }
0xac: {  	[dreg:$0x1] =	wrdreg $0xFFFFFFFF  }
0xad: {  	[dreg:$0x0] =	wrdreg $0x60  }
0xae: {  	[dreg:$0x2] =	wrdreg s24  }
0xaf: {  	[dreg:$0x3] =	wrdreg $0x9  }
0xb0: {  	_ =	task.clear_ibuf [dreg:s6], $0x4FFFF;
	_ =	strace $0x90000046  }
0xb1: {  	s29 =	simm.s32 $0x9;
	_ =	strace $0x80000048  }
0xb2: {  	_ =	swait.ge [sflag:s29], $0x1  }
0xb3: {  	[sflag:s29] =	ssyncadd.s32 $0xFFFFFFFF  }
0xb4: {  	_ =	strace $0x90000048  }
0xb5: {  	_ =	sfence  }
0xb6: {  	s30 =	sld [smem:$0x0];
	_ =	sdelay $0x2  }
0xb7: {  	s31 =	sshll.u32 s1, $0xD;
	s1 =	sshrl.u32 s1, $0x2  }
0xb8: {  	s3 =	sand.u32 $0x4000, s31;
	s1 =	sadd.s32 s1, s30  }
0xb9: {  	s0 =	sor.u32 s3, s0;
	s1 =	sshll.u32 s1, $0x11  }
0xba: {  	s0 =	sor.u32 s1, s0  }
0xbb: {  	s0 =	sadd.s32 $0x8F2B, s0  }
0xbc: {  	[sflag:s0] =	ssyncadd.remote.s32 $0x1  }
0xbd: {  	_ =	sfence.sel $0xFFFF  }
0xbe: {  	[dreg:$0x0] =	wrdreg $0xFFFFFFFF;
	(pc) =	sbr.abs _section_cstart, $3  }
0xbf: {  	[dreg:$0x1] =	wrdreg $0xFFFFFFFF  }
0xc0: {  	_ =	task.clear_ibuf [dreg:s6], $0x2FFFF;
	_ =	strace $0x9FFFFFFF  }
0xc1: {  	(tm) =	ssettm $0x7FFFFFFF  }
tec
execute0_lowered:
.L_overlay_start_1:
0x0: {  	(tag) =	ssettag $0x1  }
0x1: {  	s0 =	srdreg.scid  }
0x2: {  	s3 =	sand.u32 $0x1, s0  }
0x3: {  	s4 =	rddreg [dreg:$0x0];
	s0 =	stileid.u32;
	s1 =	sshll.u32 s3, $0x4  }
0x4: {  	s2 =	simm.s32 $0x0;
	s8 =	simm.s32 $0x80;
	s5 =	sor.u32 s0, s1  }
0x5: {  	s9 =	simm.s32 $0x400;
	[smem:$0x7FF] =	sst s2;
	s6 =	sshrl.u32 s5, $0x3  }
0x6: {  	s7 =	sshll.u32 s0, $0x7;
	s3 =	ssub.s32 $0x2, s3;
	s6 =	smul.u32 $0x13C00, s6  }
0x7: {  	s1 =	rddreg [dreg:$0x1];
	s7 =	sand.u32 $0x380, s7;
	s5 =	smul.u32 $0x4F0, s5  }
0x8: {  	_ =	strace $0x80000047;
	s30 =	sshrl.u32 s3, $0x1;
	s6 =	sor.u32 s7, s6  }
0x9: {  	s31 =	ssub.s32 s3, s30;
	s5 =	sadd.s32 s5, s4;
	s6 =	sshrl.u32 s6, $0x3  }
0xa: {  	s3 =	sadd.s32 $0x3200, s5;
	s5 =	smax.u32 s31, $0x1;
	s4 =	sadd.s32 s6, s4  }
0xb: {  	v0 =	vimm.f32 $0.0e+00;
	v1 =	vimm.f32 $1.000000000e+00;
	s7 =	simm.s32 $0x2780;
	s6 =	simm.s32 $0x1;
	s4 =	sadd.s32 $0xD000, s4  }
.LBB2_1:
0xc: {  	s10 =	simm.s32 $0x40;
	s11 =	simm.s32 $0x0  }
.LBB2_2:
0xd: {  	p0 =	sne.s32 s10, $0x9DC0;
	[tilespmem:s11+$0x2780] =	vst v0;
	s11 =	smov.u32 s10;
	s10 =	sadd.s32 $0x40, s10  }
.Ltmp0:
0xe: {  	(pc) =	sbr.rel @p0 .LBB2_2-.Ltmp0, $2  }
0xf: {  	_ =	sdelay $0x2  }
0x10: {  	s11 =	sshra.s32 s11, $0x2  }
0x11: {  	[tilespmem:s11+$0x2780] =	vst v0;
	s10 =	simm.s32 $0x0  }
0x12: {  	[tilespmem:s10], [sflag:$0x1] =	stream.linear.gather [hbm4b:s3+s10], $0x2780, $0x38;
	[tilespmem:$0x4F00] =	vst v63  }
0x13: {  	_ =	swait.ge [sflag:s6], $0x2780  }
0x14: {  	[sflag:s6] =	ssyncset.done $0x0  }
0x15: {  	[sflag:s6] =	ssyncadd.s32 $0xFFFFD880  }
.LBB2_4:
0x16: {  	s11 =	sshra.s32 s10, $0x2  }
0x17: {  	v2 =	vld [tilespmem:s11+$0x0];
	_ =	sdelay $0x7  }
0x18: {  	[tilespmem:v2+s7+$0x0] =	vst.idx.add.f32.msk $0xffff, v1  }
0x19: {  	v2 =	vld [tilespmem:s11+$0x10];
	_ =	sdelay $0x7  }
0x1a: {  	[tilespmem:v2+s7+$0x0] =	vst.idx.add.f32.msk $0xffff, v1  }
0x1b: {  	v2 =	vld [tilespmem:s11+$0x20];
	_ =	sdelay $0x7  }
0x1c: {  	[tilespmem:v2+s7+$0x0] =	vst.idx.add.f32.msk $0xffff, v1  }
0x1d: {  	v2 =	vld [tilespmem:s11+$0x30];
	_ =	sdelay $0x2  }
0x1e: {  	p0 =	sne.s32 s10, $0x9D00  }
.Ltmp1:
0x1f: {  	_ = 	snop;
	(pc) =	sbr.rel @p0 .LBB2_4-.Ltmp1, $2  }
0x20: {  	_ =	sdelay $0x2  }
0x21: {  	s10 =	sadd.s32 $0x100, s10;
	[tilespmem:v2+s7+$0x0] =	vst.idx.add.f32.msk $0xffff, v1  }
0x22: {  	s2 =	sadd.s32 $0x1, s2  }
0x23: {  	p0 =	sne.s32 s2, s5  }
.Ltmp2:
0x24: {  	_ = 	snop;
	(pc) =	sbr.rel @p0 .LBB2_1-.Ltmp2, $4  }
0x25: {  	[hbm4b:s4+s8] =	stream.strided.scatter [tilespmem:s7], [sflag:$0x1], $0x2780, s9, s8, $0x38;
	[tilespmem:$0x4F00] =	vst v63  }
0x26: {  	_ =	swait.ge [sflag:s6], $0x2780  }
0x27: {  	[sflag:s6] =	ssyncset.done $0x0  }
0x28: {  	[sflag:s6] =	ssyncadd.s32 $0xFFFFD880  }
0x29: {  	_ =	sfence.sel $0x180000  }
0x2a: {  	[bflag:$0x0] =	sbarrier.arrive $0xFFFF  }
0x2b: {  	p0 =	sne.s32 s0, $0x0;
	_ =	strace $0x90000047  }
0x2c: {  	s0 =	sadd.s32 @!p0 $0x100000, s1;
	[bflag:$0x2] =	sbarrier.arrive $0xFFFF  }
0x2d: {  	[sflag:s0] =	ssyncadd.tile.s32 @!p0 $0x1;
	_ =	shalt  }
.Lfunc_end2:
_tile_overlayer_lowered:
.L_overlay_start_2:
0x2e: {  	(tag) =	ssettag $0x2  }
0x2f: {  	s0 =	rddreg [dreg:$0x0];
	s2 =	stileid.u32  }
0x30: {  	s1 =	rddreg [dreg:$0x1];
	p0 =	sne.s32 s2, $0x0  }
0x31: {  	s3 =	rddreg [dreg:$0x2];
	[bflag:$0x3] =	sbarrier.arrive $0xFFFF;
	s2 =	simm.s32 @!p0 $0x1C01  }
0x32: {  	[timem:s3], [sflag:s2] =	dma.local @!p0 [hbm:s0], s1  }
0x33: {  	s0 =	simm.s32 @!p0 $0x1  }
0x34: {  	_ =	swait.ge @!p0 [sflag:s0], s1  }
0x35: {  	s1 =	ssub.s32 @!p0 $0x0, s1;
	[sflag:s0] =	ssyncset.done @!p0 $0x0  }
0x36: {  	[sflag:s0] =	ssyncadd.s32 @!p0 s1  }
0x37: {  	[bflag:$0x3] =	sbarrier.arrive $0xFFFF  }
0x38: {  	_ =	shalt  }

</sc_bundles>
